<compile_context>
chip_gen: v7x
topology: tpu7x:2x2x1
jax: 0.10.2.dev20260603
libtpu: 0.0.44.dev20260713+nightly
codegen_flags: <defaults>
</compile_context>

<pallas_src>
import functools

import jax
import jax.numpy as jnp
from jax import lax
from jax.experimental import pallas as pl
from jax.experimental.pallas import tpu as pltpu
from jax.experimental.pallas import tpu_sc as plsc

B = 128
K = 36
L = 20
WORD_DIM = 300
QUES_DIM = 1024
V_DIM = 2048
SCORE_DIM = 1024
NEG_SLOPE = 0.01
WORD_PAD = 320

BB = 8


def _lrelu(x):
    return jnp.where(x >= 0, x, NEG_SLOPE * x)


def _sc_gather(table, idx):
    info = plsc.get_sparse_core_info()
    nc, ns = info.num_cores, info.num_subcores
    nw = nc * ns
    n = idx.shape[0]
    d = table.shape[1]
    b_per_w = n // nw
    mesh = plsc.VectorSubcoreMesh(core_axis_name="c", subcore_axis_name="s")

    @functools.partial(
        pl.kernel,
        mesh=mesh,
        out_type=jax.ShapeDtypeStruct((n, d), jnp.float32),
        scratch_types=[
            pltpu.VMEM((b_per_w,), jnp.int32),
            pltpu.VMEM((b_per_w, d), jnp.float32),
            pltpu.SemaphoreType.DMA,
        ],
        compiler_params=pltpu.CompilerParams(use_tc_tiling_on_sc=False),
    )
    def gather_k(table_hbm, idx_hbm, out_hbm, idx_v, rows_v, sem):
        wid = lax.axis_index("s") * nc + lax.axis_index("c")
        base = wid * b_per_w
        pltpu.sync_copy(idx_hbm.at[pl.ds(base, b_per_w)], idx_v)
        pltpu.async_copy(table_hbm.at[idx_v], rows_v, sem).wait()
        pltpu.sync_copy(rows_v, out_hbm.at[pl.ds(base, b_per_w)])

    return gather_k(table, idx)


def _pad_body(in_ref, out_ref):
    rows = in_ref.shape[0]
    out_ref[...] = jnp.concatenate(
        [in_ref[...], jnp.zeros((rows, WORD_PAD - WORD_DIM), jnp.float32)],
        axis=1)


def _pad_table(table):
    rows = table.shape[0]
    blk = 2688
    nblk = pl.cdiv(rows, blk)
    return pl.pallas_call(
        _pad_body,
        grid=(nblk,),
        in_specs=[pl.BlockSpec((blk, WORD_DIM), lambda g: (g, 0))],
        out_specs=pl.BlockSpec((blk, WORD_PAD), lambda g: (g, 0)),
        out_shape=jax.ShapeDtypeStruct((rows, WORD_PAD), jnp.float32),
    )(table)


def _gi_body(xe_ref, w_ih_ref, b_ih_ref, gi_ref):
    x = xe_ref[...][:, :WORD_DIM]
    gi_ref[...] = lax.dot_general(x, w_ih_ref[...], (((1,), (1,)), ((), ())),
                                  preferred_element_type=jnp.float32) \
        + b_ih_ref[...]


def _gi_all(xe_flat, w_ih, b_ih):
    mb = 640
    nblk = (L * B) // mb
    return pl.pallas_call(
        _gi_body,
        grid=(nblk,),
        in_specs=[
            pl.BlockSpec((mb, WORD_PAD), lambda g: (g, 0)),
            pl.BlockSpec((3 * QUES_DIM, WORD_DIM), lambda g: (0, 0)),
            pl.BlockSpec((1, 3 * QUES_DIM), lambda g: (0, 0)),
        ],
        out_specs=pl.BlockSpec((mb, 3 * QUES_DIM), lambda g: (g, 0)),
        out_shape=jax.ShapeDtypeStruct((L * B, 3 * QUES_DIM), jnp.float32),
    )(xe_flat, w_ih, b_ih.reshape(1, -1))


def _gru_body(gi_ref, w_hh_ref, b_hh_ref, qp_w_ref,
              qp_b_ref, ws_w_ref, rw_w_ref, rw_b_ref, t_ref, wq_ref, h_ref):
    l = pl.program_id(0)

    @pl.when(l == 0)
    def _():
        h_ref[...] = jnp.zeros((B, QUES_DIM), jnp.float32)

    h = h_ref[...]
    dn = (((1,), (1,)), ((), ()))
    gi = gi_ref[0]
    gh = lax.dot_general(h, w_hh_ref[...], dn,
                         preferred_element_type=jnp.float32) + b_hh_ref[...]
    i_r = gi[:, :QUES_DIM]
    i_z = gi[:, QUES_DIM:2 * QUES_DIM]
    i_n = gi[:, 2 * QUES_DIM:]
    h_r = gh[:, :QUES_DIM]
    h_z = gh[:, QUES_DIM:2 * QUES_DIM]
    h_n = gh[:, 2 * QUES_DIM:]
    r = jax.nn.sigmoid(i_r + h_r)
    z = jax.nn.sigmoid(i_z + h_z)
    n = jnp.tanh(i_n + r * h_n)
    h_new = (1.0 - z) * n + z * h
    h_ref[...] = h_new

    @pl.when(l == L - 1)
    def _():
        q_p = _lrelu(lax.dot_general(h_new, qp_w_ref[...], dn,
                                     preferred_element_type=jnp.float32)
                     + qp_b_ref[...])
        t_ref[...] = q_p * ws_w_ref[...]
        wq_ref[...] = jnp.sum(h_new * rw_w_ref[...], axis=1,
                              keepdims=True) + rw_b_ref[...]


def _gru(gi_all, w_hh, b_hh, qp_w, qp_b, ws_w, rw_w, rw_b):
    full = lambda s: pl.BlockSpec(s, lambda l: (0,) * len(s))
    return pl.pallas_call(
        _gru_body,
        grid=(L,),
        in_specs=[
            pl.BlockSpec((1, B, 3 * QUES_DIM), lambda l: (l, 0, 0)),
            full((3 * QUES_DIM, QUES_DIM)),
            full((1, 3 * QUES_DIM)),
            full((SCORE_DIM, QUES_DIM)),
            full((1, SCORE_DIM)),
            full((1, SCORE_DIM)),
            full((1, QUES_DIM)),
            full((1, 1)),
        ],
        out_specs=[
            pl.BlockSpec((B, SCORE_DIM), lambda l: (0, 0)),
            pl.BlockSpec((B, 1), lambda l: (0, 0)),
        ],
        out_shape=[
            jax.ShapeDtypeStruct((B, SCORE_DIM), jnp.float32),
            jax.ShapeDtypeStruct((B, 1), jnp.float32),
        ],
        scratch_shapes=[pltpu.VMEM((B, QUES_DIM), jnp.float32)],
    )(gi_all, w_hh, b_hh.reshape(1, -1), qp_w,
      qp_b.reshape(1, -1), ws_w, rw_w, rw_b.reshape(1, -1))


def _score_body(v_ref, b_ref, t_ref, wq_ref, vp_w_ref, vp_b_ref, fr_wt_ref,
                fr_b_ref, d_w_ref, sc_ref, out_ref):
    dn = (((1,), (1,)), ((), ()))
    v2 = v_ref[...].reshape(BB * K, V_DIM)
    vp = _lrelu(lax.dot_general(v2.astype(jnp.bfloat16), vp_w_ref[...], dn,
                                preferred_element_type=jnp.float32)
                + vp_b_ref[...])
    vp3 = vp.reshape(BB, K, SCORE_DIM)
    ws_b = sc_ref[0, 0]
    d_b = sc_ref[0, 1]
    kappa = jnp.sum(vp3 * t_ref[...][:, None, :], axis=2) + ws_b

    ss = jnp.sum(v2 * v2, axis=1)
    inv = 1.0 / jnp.maximum(jnp.sqrt(ss), 1e-12)
    nv2 = v2 * inv[:, None]
    nvb = nv2.astype(jnp.bfloat16)
    big = lax.dot_general(nvb, nvb, dn,
                          preferred_element_type=jnp.float32)
    vtv = jnp.concatenate(
        [big[i * K:(i + 1) * K, i * K:(i + 1) * K][None] for i in range(BB)],
        axis=0)

    bx = b_ref[...]
    x0s = bx[:, :, 0:1]
    y0s = bx[:, :, 1:2]
    x1s = bx[:, :, 2:3]
    y1s = bx[:, :, 3:4]
    areas = (x1s - x0s) * (y1s - y0s)
    jv = lambda a: a[:, None, :, :]
    iv = lambda a: a[:, :, None, :]
    lr4 = jnp.minimum(jv(x1s), iv(x1s)) - jnp.maximum(jv(x0s), iv(x0s))
    ud4 = jnp.minimum(jv(y1s), iv(y1s)) - jnp.maximum(jv(y0s), iv(y0s))
    ov4 = jnp.maximum(lr4, 0.0) * jnp.maximum(ud4, 0.0)
    aj4 = jv(areas)
    ai4 = iv(areas)
    iou4 = ov4 / (aj4 + ai4 - ov4)
    oij4 = ov4 / aj4
    oji4 = ov4 / ai4

    fr_wt = fr_wt_ref[...]
    f = lambda c: fr_wt[c].reshape(1, 1, 1, 100)
    b2 = bx.reshape(BB * K, 6)
    dnn = (((1,), (0,)), ((), ()))
    u = lax.dot_general(b2, fr_wt[2:8], dnn,
                        preferred_element_type=jnp.float32)
    w2m = lax.dot_general(b2, fr_wt[8:14], dnn,
                          preferred_element_type=jnp.float32)
    u3 = u.reshape(BB, K, 100)
    w23 = w2m.reshape(BB, K, 100)
    hf = (wq_ref[...].reshape(BB, 1, 1, 1) * f(0)
          + vtv[..., None] * f(1)
          + u3[:, None, :, :]
          + w23[:, :, None, :]
          + iou4 * f(14)
          + oij4 * f(15)
          + oji4 * f(16)
          + fr_b_ref[...].reshape(1, 1, 1, 100))
    rho = jnp.sum(_lrelu(hf) * d_w_ref[...].reshape(1, 1, 1, 100),
                  axis=3) + d_b
    out_ref[...] = jnp.concatenate([kappa[:, :, None], rho], axis=2)


def _score(v_emb, bboxes, t, wq, vp_w, vp_b, fr_w, fr_b, d_w, scalars):
    nblk = B // BB
    full = lambda s: pl.BlockSpec(s, lambda g: (0,) * len(s))
    return pl.pallas_call(
        _score_body,
        grid=(nblk,),
        in_specs=[
            pl.BlockSpec((BB, K, V_DIM), lambda g: (g, 0, 0)),
            pl.BlockSpec((BB, K, 6), lambda g: (g, 0, 0)),
            pl.BlockSpec((BB, SCORE_DIM), lambda g: (g, 0)),
            pl.BlockSpec((BB, 1), lambda g: (g, 0)),
            pl.BlockSpec((SCORE_DIM, V_DIM), lambda g: (0, 0)),
            full((1, SCORE_DIM)),
            full((17, 100)),
            full((1, 100)),
            full((1, 100)),
            full((1, 2)),
        ],
        out_specs=pl.BlockSpec((BB, K, K + 1), lambda g: (g, 0, 0)),
        out_shape=jax.ShapeDtypeStruct((B, K, K + 1), jnp.float32),
    )(v_emb, bboxes, t, wq, vp_w.astype(jnp.bfloat16), vp_b.reshape(1, -1),
      fr_w.T, fr_b.reshape(1, -1), d_w, scalars)


def kernel(v_emb, b, q, embd, w_ih, w_hh, b_ih, b_hh, vp_w, vp_b, qp_w,
           qp_b, ws_w, ws_b, rw_w, rw_b, fr_w, fr_b, d_w, d_b):
    idx = q.T.reshape(-1).astype(jnp.int32)
    embd_p = _pad_table(embd)
    xe_flat = _sc_gather(embd_p, idx)
    gi_all = _gi_all(xe_flat, w_ih, b_ih).reshape(L, B, 3 * QUES_DIM)
    t, wq = _gru(gi_all, w_hh, b_hh, qp_w, qp_b, ws_w, rw_w, rw_b)
    scalars = jnp.stack([ws_b[0], d_b[0]]).reshape(1, 2)
    return _score(v_emb, b, t, wq, vp_w, vp_b, fr_w, fr_b, d_w, scalars)

# --- scband reference (transcript-rebuilt; emitter-appended) ---
"""Pipeline reference for scband-irlc-40132174413865 (READ-ONLY COPY).

The authoritative reference and input builder live on the scoring server;
editing this copy changes nothing except your own understanding.
"""

import jax, jax.numpy as jnp
import numpy as np

VOCAB_SIZE = 20000
WORD_DIM = 300
QUES_DIM = 1024
V_DIM = 2048
SCORE_DIM = 1024
B = 128
K = 36
L = 20

def _lrelu(x):
    return jax.nn.leaky_relu(x, negative_slope=0.01)

def setup_inputs(seed: int = 0) -> dict:
    key = jax.random.key(seed)
    ks = jax.random.split(key, 16)
    v_emb = jax.random.normal(ks[0], (B, K, V_DIM), dtype=jnp.float32)
    b = jax.random.uniform(ks[1], (B, K, 6), dtype=jnp.float32)
    q = jax.random.randint(ks[2], (B, L), 0, VOCAB_SIZE)
    embd = (0.1 * jax.random.normal(ks[3], (VOCAB_SIZE + 1, WORD_DIM), dtype=jnp.float32)).at[VOCAB_SIZE].set(0.0)
    w_ih = 0.05 * jax.random.normal(ks[4], (3 * QUES_DIM, WORD_DIM), dtype=jnp.float32)
    w_hh = 0.05 * jax.random.normal(ks[5], (3 * QUES_DIM, QUES_DIM), dtype=jnp.float32)
    b_ih = jnp.zeros((3 * QUES_DIM,), jnp.float32)
    b_hh = jnp.zeros((3 * QUES_DIM,), jnp.float32)
    vp_w = 0.02 * jax.random.normal(ks[6], (SCORE_DIM, V_DIM), dtype=jnp.float32)
    vp_b = jnp.zeros((SCORE_DIM,), jnp.float32)
    qp_w = 0.02 * jax.random.normal(ks[7], (SCORE_DIM, QUES_DIM), dtype=jnp.float32)
    qp_b = jnp.zeros((SCORE_DIM,), jnp.float32)
    ws_w = 0.02 * jax.random.normal(ks[8], (1, SCORE_DIM), dtype=jnp.float32)
    ws_b = jnp.zeros((1,), jnp.float32)
    rw_w = 0.02 * jax.random.normal(ks[9], (1, QUES_DIM), dtype=jnp.float32)
    rw_b = jnp.zeros((1,), jnp.float32)
    fr_w = 0.1 * jax.random.normal(ks[10], (100, 17), dtype=jnp.float32)
    fr_b = jnp.zeros((100,), jnp.float32)
    d_w = 0.1 * jax.random.normal(ks[11], (1, 100), dtype=jnp.float32)
    d_b = jnp.zeros((1,), jnp.float32)
    return {"v_emb": v_emb, "b": b, "q": q, "embd": embd, "w_ih": w_ih, "w_hh": w_hh, "b_ih": b_ih, "b_hh": b_hh, "vp_w": vp_w, "vp_b": vp_b, "qp_w": qp_w, "qp_b": qp_b, "ws_w": ws_w, "ws_b": ws_b, "rw_w": rw_w, "rw_b": rw_b, "fr_w": fr_w, "fr_b": fr_b, "d_w": d_w, "d_b": d_b}

def reference(v_emb, b, q, embd, w_ih, w_hh, b_ih, b_hh, vp_w, vp_b, qp_w, qp_b, ws_w, ws_b, rw_w, rw_b, fr_w, fr_b, d_w, d_b):
    Bq = v_emb.shape[0]
    k = v_emb.shape[1]
    # QuestionParser: embedding gather + 1-layer GRU, take final hidden (dropout = identity in eval)
    xe = embd[q.T]  # [L, B, word_dim]
    def gru_step(h, x):
        gi = x @ w_ih.T + b_ih
        gh = h @ w_hh.T + b_hh
        i_r, i_z, i_n = jnp.split(gi, 3, axis=1)
        h_r, h_z, h_n = jnp.split(gh, 3, axis=1)
        r = jax.nn.sigmoid(i_r + h_r)
        z = jax.nn.sigmoid(i_z + h_z)
        n = jnp.tanh(i_n + r * h_n)
        h_new = (1.0 - z) * n + z * h
        return h_new, None
    h0 = jnp.zeros((Bq, QUES_DIM), jnp.float32)
    q_emb, _ = jax.lax.scan(gru_step, h0, xe)
    # ScoringFunction
    v_p = _lrelu(v_emb @ vp_w.T + vp_b)
    q_p = _lrelu(q_emb @ qp_w.T + qp_b)
    s = v_p * q_p[:, None, :]
    kappa_0 = (s @ ws_w.T + ws_b)[..., 0]  # [B, k]
    # RhoScorer
    wq = (q_emb @ rw_w.T + rw_b)[:, 0]
    wq_f = jnp.broadcast_to(wq[:, None, None, None], (Bq, k, k, 1))
    nv = v_emb / jnp.maximum(jnp.linalg.norm(v_emb, axis=2, keepdims=True), 1e-12)
    vtv = jnp.einsum('bid,bjd->bij', nv, nv)[..., None]
    b_ij = jnp.broadcast_to(b[:, None, :, :], (Bq, k, k, 6))
    b_ji = jnp.broadcast_to(b[:, :, None, :], (Bq, k, k, 6))
    area_ij = (b_ij[..., 2] - b_ij[..., 0]) * (b_ij[..., 3] - b_ij[..., 1])
    area_ji = (b_ji[..., 2] - b_ji[..., 0]) * (b_ji[..., 3] - b_ji[..., 1])
    lr = jnp.minimum(b_ij[..., 2], b_ji[..., 2]) - jnp.maximum(b_ij[..., 0], b_ji[..., 0])
    ud = jnp.minimum(b_ij[..., 3], b_ji[..., 3]) - jnp.maximum(b_ij[..., 1], b_ji[..., 1])
    lr = jnp.maximum(0.0, lr)
    ud = jnp.maximum(0.0, ud)
    overlap = lr * ud
    iou = overlap / (area_ij + area_ji - overlap)
    o_ij = overlap / area_ij
    o_ji = overlap / area_ji
    features = jnp.concatenate([wq_f, vtv, b_ij, b_ji, iou[..., None], o_ij[..., None], o_ji[..., None]], axis=3)  # [B,k,k,17]
    hfeat = _lrelu(features @ fr_w.T + fr_b)
    rho = (hfeat @ d_w.T + d_b)[..., 0]  # [B,k,k]
    # pack (kappa_0, rho) into one array: [B, k, k+1]
    return jnp.concatenate([kappa_0[:, :, None], rho], axis=2)

if __name__ == "__main__":
    import jax
    _d = setup_inputs()
    print(jax.jit(kernel)(*tuple(_d.values())))

</pallas_src>

<mosaic_0001>
#map = affine_map<(d0, d1) -> (0, 0)>
#map1 = affine_map<(d0, d1) -> (0)>
module attributes {stable_mosaic.version = 14 : i64} {
  func.func @gather_k(%arg0: i32, %arg1: i32, %arg2: memref<20001x320xf32, #tpu.memory_space<hbm>>, %arg3: memref<2560xi32, #tpu.memory_space<hbm>>, %arg4: memref<2560x320xf32, #tpu.memory_space<hbm>>, %arg5: memref<80xi32, #tpu.memory_space<vmem>>, %arg6: memref<80x320xf32, #tpu.memory_space<vmem>>, %arg7: memref<!tpu.dma_semaphore, #tpu.memory_space<semaphore_mem>>) attributes {dimension_semantics = [#tpu.dimension_semantics<core_parallel>, #tpu.dimension_semantics<subcore_parallel>], iteration_bounds = array<i64: 2, 16>, scalar_prefetch = 0 : i64, scratch_operands = 3 : i64, tpu.core_type = #tpu.core_type<sc_vector_subcore>, window_params = [{transform_indices = #map}, {transform_indices = #map1}, {transform_indices = #map}]} {
    %mul3A = arith.constant 2 : i32
    %mul3A_0 = arith.muli %arg1, %mul3A : i32
    %add3A = arith.addi %mul3A_0, %arg0 : i32
    %mul3A_1 = arith.constant 80 : i32
    %mul3A_2 = arith.muli %add3A, %mul3A_1 : i32
    "tpu.region"() ({
      %run_scoped3A = tpu.sem_alloc : memref<!tpu.dma_semaphore, #tpu.memory_space<semaphore_mem>>
      %dma_start3A_7 = tpu.memref_slice %arg3[%mul3A_2] : memref<2560xi32, #tpu.memory_space<hbm>> -> memref<80xi32, #tpu.memory_space<hbm>>
      %dma_start3A_8 = tpu.memref_slice %arg3[%mul3A_2] : memref<2560xi32, #tpu.memory_space<hbm>> -> memref<80xi32, #tpu.memory_space<hbm>>
      tpu.enqueue_dma source(%dma_start3A_8 : memref<80xi32, #tpu.memory_space<hbm>>) target(%arg5 : memref<80xi32, #tpu.memory_space<vmem>>) target_semaphore(%run_scoped3A : memref<!tpu.dma_semaphore, #tpu.memory_space<semaphore_mem>>)
      %dma_wait3A_9 = tpu.memref_slice %arg3[%mul3A_2] : memref<2560xi32, #tpu.memory_space<hbm>> -> memref<80xi32, #tpu.memory_space<hbm>>
      %dma_wait3A_10 = tpu.memref_slice %arg3[%mul3A_2] : memref<2560xi32, #tpu.memory_space<hbm>> -> memref<80xi32, #tpu.memory_space<hbm>>
      tpu.wait_dma2 semaphore(%run_scoped3A : memref<!tpu.dma_semaphore, #tpu.memory_space<semaphore_mem>>) src(%dma_wait3A_10 : memref<80xi32, #tpu.memory_space<hbm>>) dst(%arg5 : memref<80xi32, #tpu.memory_space<vmem>>)
      tpu.yield
    }) : () -> ()
    %dma_start3A = arith.constant 0 : i32
    %dma_start3A_3 = arith.constant 0 : i32
    %dma_start3A_4 = tpu.memref_slice %arg2[%dma_start3A, %dma_start3A_3] : memref<20001x320xf32, #tpu.memory_space<hbm>> -> memref<20001x320xf32, #tpu.memory_space<hbm>>
    tpu.enqueue_indirect_dma source(%dma_start3A_4 : memref<20001x320xf32, #tpu.memory_space<hbm>>) target(%arg6 : memref<80x320xf32, #tpu.memory_space<vmem>>) offsets(%arg5 : memref<80xi32, #tpu.memory_space<vmem>>) semaphore(%arg7 : memref<!tpu.dma_semaphore, #tpu.memory_space<semaphore_mem>>)
    %dma_wait3A = arith.constant 0 : i32
    %dma_wait3A_5 = arith.constant 0 : i32
    %dma_wait3A_6 = tpu.memref_slice %arg2[%dma_wait3A, %dma_wait3A_5] : memref<20001x320xf32, #tpu.memory_space<hbm>> -> memref<20001x320xf32, #tpu.memory_space<hbm>>
    tpu.wait_indirect_dma semaphore(%arg7 : memref<!tpu.dma_semaphore, #tpu.memory_space<semaphore_mem>>) src(%dma_wait3A_6 : memref<20001x320xf32, #tpu.memory_space<hbm>>) dst(%arg6 : memref<80x320xf32, #tpu.memory_space<vmem>>)
    "tpu.region"() ({
      %run_scoped3A = tpu.sem_alloc : memref<!tpu.dma_semaphore, #tpu.memory_space<semaphore_mem>>
      %dma_start3A_7 = arith.constant 0 : i32
      %dma_start3A_8 = tpu.memref_slice %arg4[%mul3A_2, %dma_start3A_7] : memref<2560x320xf32, #tpu.memory_space<hbm>> -> memref<80x320xf32, #tpu.memory_space<hbm>>
      %dma_start3A_9 = arith.constant 0 : i32
      %dma_start3A_10 = tpu.memref_slice %arg4[%mul3A_2, %dma_start3A_9] : memref<2560x320xf32, #tpu.memory_space<hbm>> -> memref<80x320xf32, #tpu.memory_space<hbm>>
      tpu.enqueue_dma source(%arg6 : memref<80x320xf32, #tpu.memory_space<vmem>>) target(%dma_start3A_10 : memref<80x320xf32, #tpu.memory_space<hbm>>) target_semaphore(%run_scoped3A : memref<!tpu.dma_semaphore, #tpu.memory_space<semaphore_mem>>)
      %dma_wait3A_11 = arith.constant 0 : i32
      %dma_wait3A_12 = tpu.memref_slice %arg4[%mul3A_2, %dma_wait3A_11] : memref<2560x320xf32, #tpu.memory_space<hbm>> -> memref<80x320xf32, #tpu.memory_space<hbm>>
      %dma_wait3A_13 = arith.constant 0 : i32
      %dma_wait3A_14 = tpu.memref_slice %arg4[%mul3A_2, %dma_wait3A_13] : memref<2560x320xf32, #tpu.memory_space<hbm>> -> memref<80x320xf32, #tpu.memory_space<hbm>>
      tpu.wait_dma2 semaphore(%run_scoped3A : memref<!tpu.dma_semaphore, #tpu.memory_space<semaphore_mem>>) src(%arg6 : memref<80x320xf32, #tpu.memory_space<vmem>>) dst(%dma_wait3A_14 : memref<80x320xf32, #tpu.memory_space<hbm>>)
      tpu.yield
    }) : () -> ()
    return
  }
}

module attributes {stable_mosaic.version = 14 : i64} {
  func.func @_pad_body(%arg0: i32, %arg1: memref<2688x300xf32, #tpu.memory_space<vmem>>, %arg2: memref<2688x320xf32, #tpu.memory_space<vmem>>) attributes {dimension_semantics = [#tpu.dimension_semantics<arbitrary>], iteration_bounds = array<i64: 8>, scalar_prefetch = 0 : i64, scratch_operands = 0 : i64, tpu.core_type = #tpu.core_type<tc>, window_params = [{transform_indices = @transform_0, window_bounds = array<i64: 2688, 300>}, {transform_indices = @transform_1, window_bounds = array<i64: 2688, 320>}]} {
    %get3A = arith.constant 0 : index
    %get3A_0 = arith.constant 0 : index
    %get3A_1 = vector.load %arg1[%get3A, %get3A_0] : memref<2688x300xf32, #tpu.memory_space<vmem>>, vector<2688x300xf32>
    %broadcast_in_dim3A = arith.constant 0.000000e+00 : f32
    %broadcast_in_dim3A_2 = vector.broadcast %broadcast_in_dim3A : f32 to vector<2688x20xf32>
    %concatenate3A = tpu.concatenate %get3A_1, %broadcast_in_dim3A_2 in 1 : vector<2688x300xf32>, vector<2688x20xf32> -> vector<2688x320xf32>
    %swap3A = arith.constant 0 : index
    %swap3A_3 = arith.constant 0 : index
    %swap3A_4 = vector.load %arg2[%swap3A, %swap3A_3] : memref<2688x320xf32, #tpu.memory_space<vmem>>, vector<2688x320xf32>
    tpu.vector_store %arg2[%swap3A, %swap3A_3], %concatenate3A {strides = array<i32>} : memref<2688x320xf32, #tpu.memory_space<vmem>>, vector<2688x320xf32>,
    return
  }
  func.func @transform_0(%arg0: i32) -> (i32, i32) {
    %c0_i32 = arith.constant 0 : i32
    %c0_i32_0 = arith.constant 0 : i32
    return %arg0, %c0_i32 : i32, i32
  }
  func.func @transform_1(%arg0: i32) -> (i32, i32) {
    %c0_i32 = arith.constant 0 : i32
    %c0_i32_0 = arith.constant 0 : i32
    return %arg0, %c0_i32 : i32, i32
  }
}

module attributes {stable_mosaic.version = 14 : i64} {
  func.func @_gi_body(%arg0: i32, %arg1: memref<640x320xf32, #tpu.memory_space<vmem>>, %arg2: memref<3072x300xf32, #tpu.memory_space<vmem>>, %arg3: memref<1x3072xf32, #tpu.memory_space<vmem>>, %arg4: memref<640x3072xf32, #tpu.memory_space<vmem>>) attributes {dimension_semantics = [#tpu.dimension_semantics<arbitrary>], iteration_bounds = array<i64: 4>, scalar_prefetch = 0 : i64, scratch_operands = 0 : i64, tpu.core_type = #tpu.core_type<tc>, window_params = [{transform_indices = @transform_0, window_bounds = array<i64: 640, 320>}, {pipeline_mode = #tpu.pipeline_mode<synchronous>, transform_indices = @transform_1, window_bounds = array<i64: 3072, 300>}, {pipeline_mode = #tpu.pipeline_mode<synchronous>, transform_indices = @transform_2, window_bounds = array<i64: 1, 3072>}, {transform_indices = @transform_3, window_bounds = array<i64: 640, 3072>}]} {
    %get3A = arith.constant 0 : index
    %get3A_0 = arith.constant 0 : index
    %get3A_1 = vector.load %arg1[%get3A, %get3A_0] : memref<640x320xf32, #tpu.memory_space<vmem>>, vector<640x320xf32>
    %slice3A = vector.extract_strided_slice %get3A_1 {offsets = [0, 0], sizes = [640, 300], strides = [1, 1]} : vector<640x320xf32> to vector<640x300xf32>
    %get3A_2 = arith.constant 0 : index
    %get3A_3 = arith.constant 0 : index
    %get3A_4 = vector.load %arg2[%get3A_2, %get3A_3] : memref<3072x300xf32, #tpu.memory_space<vmem>>, vector<3072x300xf32>
    %dot_general3A = arith.constant dense<0.000000e+00> : vector<640x3072xf32>
    %dot_general3A_5 = tpu.matmul %slice3A, %get3A_4, %dot_general3A {dimension_numbers = #tpu.dot_dimension_numbers<[1], [1], [0], [0], [0, 0, 1, 0], [], []>, transpose_lhs_hint = false} : vector<640x300xf32>, vector<3072x300xf32>, vector<640x3072xf32> -> vector<640x3072xf32>
    %get3A_6 = arith.constant 0 : index
    %get3A_7 = arith.constant 0 : index
    %get3A_8 = vector.load %arg3[%get3A_6, %get3A_7] : memref<1x3072xf32, #tpu.memory_space<vmem>>, vector<1x3072xf32>
    %add3A = vector.broadcast %get3A_8 : vector<1x3072xf32> to vector<640x3072xf32>
    %add3A_9 = arith.addf %dot_general3A_5, %add3A : vector<640x3072xf32>
    %swap3A = arith.constant 0 : index
    %swap3A_10 = arith.constant 0 : index
    %swap3A_11 = vector.load %arg4[%swap3A, %swap3A_10] : memref<640x3072xf32, #tpu.memory_space<vmem>>, vector<640x3072xf32>
    tpu.vector_store %arg4[%swap3A, %swap3A_10], %add3A_9 {strides = array<i32>} : memref<640x3072xf32, #tpu.memory_space<vmem>>, vector<640x3072xf32>,
    return
  }
  func.func @transform_0(%arg0: i32) -> (i32, i32) {
    %c0_i32 = arith.constant 0 : i32
    %c0_i32_0 = arith.constant 0 : i32
    return %arg0, %c0_i32 : i32, i32
  }
  func.func @transform_1(%arg0: i32) -> (i32, i32) {
    %c0_i32 = arith.constant 0 : i32
    %c0_i32_0 = arith.constant 0 : i32
    %c0_i32_1 = arith.constant 0 : i32
    return %c0_i32, %c0_i32_0 : i32, i32
  }
  func.func @transform_2(%arg0: i32) -> (i32, i32) {
    %c0_i32 = arith.constant 0 : i32
    %c0_i32_0 = arith.constant 0 : i32
    %c0_i32_1 = arith.constant 0 : i32
    return %c0_i32, %c0_i32_0 : i32, i32
  }
  func.func @transform_3(%arg0: i32) -> (i32, i32) {
    %c0_i32 = arith.constant 0 : i32
    %c0_i32_0 = arith.constant 0 : i32
    return %arg0, %c0_i32 : i32, i32
  }
}

module attributes {stable_mosaic.version = 14 : i64} {
  func.func @_score_body(%arg0: i32, %arg1: memref<8x36x2048xf32, #tpu.memory_space<vmem>>, %arg2: memref<8x36x6xf32, #tpu.memory_space<vmem>>, %arg3: memref<8x1024xf32, #tpu.memory_space<vmem>>, %arg4: memref<8x1xf32, #tpu.memory_space<vmem>>, %arg5: memref<1024x2048xbf16, #tpu.memory_space<vmem>>, %arg6: memref<1x1024xf32, #tpu.memory_space<vmem>>, %arg7: memref<17x100xf32, #tpu.memory_space<vmem>>, %arg8: memref<1x100xf32, #tpu.memory_space<vmem>>, %arg9: memref<1x100xf32, #tpu.memory_space<vmem>>, %arg10: memref<1x2xf32, #tpu.memory_space<vmem>>, %arg11: memref<8x36x37xf32, #tpu.memory_space<vmem>>) attributes {dimension_semantics = [#tpu.dimension_semantics<arbitrary>], iteration_bounds = array<i64: 16>, scalar_prefetch = 0 : i64, scratch_operands = 0 : i64, tpu.core_type = #tpu.core_type<tc>, window_params = [{transform_indices = @transform_0, window_bounds = array<i64: 8, 36, 2048>}, {transform_indices = @transform_1, window_bounds = array<i64: 8, 36, 6>}, {transform_indices = @transform_2, window_bounds = array<i64: 8, 1024>}, {transform_indices = @transform_3, window_bounds = array<i64: 8, 1>}, {pipeline_mode = #tpu.pipeline_mode<synchronous>, transform_indices = @transform_4, window_bounds = array<i64: 1024, 2048>}, {pipeline_mode = #tpu.pipeline_mode<synchronous>, transform_indices = @transform_5, window_bounds = array<i64: 1, 1024>}, {pipeline_mode = #tpu.pipeline_mode<synchronous>, transform_indices = @transform_6, window_bounds = array<i64: 17, 100>}, {pipeline_mode = #tpu.pipeline_mode<synchronous>, transform_indices = @transform_7, window_bounds = array<i64: 1, 100>}, {pipeline_mode = #tpu.pipeline_mode<synchronous>, transform_indices = @transform_8, window_bounds = array<i64: 1, 100>}, {pipeline_mode = #tpu.pipeline_mode<synchronous>, transform_indices = @transform_9, window_bounds = array<i64: 1, 2>}, {transform_indices = @transform_10, window_bounds = array<i64: 8, 36, 37>}]} {
    %get3A = arith.constant 0 : index
    %get3A_0 = arith.constant 0 : index
    %get3A_1 = arith.constant 0 : index
    %get3A_2 = vector.load %arg1[%get3A, %get3A_0, %get3A_1] : memref<8x36x2048xf32, #tpu.memory_space<vmem>>, vector<8x36x2048xf32>
    %reshape3A = vector.shape_cast %get3A_2 : vector<8x36x2048xf32> to vector<288x2048xf32>
    %convert_element_type3A = arith.truncf %reshape3A : vector<288x2048xf32> to vector<288x2048xbf16>
    %get3A_3 = arith.constant 0 : index
    %get3A_4 = arith.constant 0 : index
    %get3A_5 = vector.load %arg5[%get3A_3, %get3A_4] : memref<1024x2048xbf16, #tpu.memory_space<vmem>>, vector<1024x2048xbf16>
    %dot_general3A = arith.constant dense<0.000000e+00> : vector<288x1024xf32>
    %dot_general3A_6 = tpu.matmul %convert_element_type3A, %get3A_5, %dot_general3A {dimension_numbers = #tpu.dot_dimension_numbers<[1], [1], [0], [0], [0, 0, 1, 0], [], []>, transpose_lhs_hint = false} : vector<288x2048xbf16>, vector<1024x2048xbf16>, vector<288x1024xf32> -> vector<288x1024xf32>
    %get3A_7 = arith.constant 0 : index
    %get3A_8 = arith.constant 0 : index
    %get3A_9 = vector.load %arg6[%get3A_7, %get3A_8] : memref<1x1024xf32, #tpu.memory_space<vmem>>, vector<1x1024xf32>
    %add3A = vector.broadcast %get3A_9 : vector<1x1024xf32> to vector<288x1024xf32>
    %add3A_10 = arith.addf %dot_general3A_6, %add3A : vector<288x1024xf32>
    %jit3A = arith.constant 0.00999999977 : f32
    %ge3A = arith.constant 0.000000e+00 : f32
    %ge3A_11 = vector.broadcast %ge3A : f32 to vector<288x1024xf32>
    %ge3A_12 = arith.cmpf oge, %add3A_10, %ge3A_11 : vector<288x1024xf32>
    %mul3A = vector.broadcast %jit3A : f32 to vector<288x1024xf32>
    %mul3A_13 = arith.mulf %mul3A, %add3A_10 : vector<288x1024xf32>
    %select_n3A = arith.select %ge3A_12, %add3A_10, %mul3A_13 : vector<288x1024xi1>, vector<288x1024xf32>
    %reshape3A_14 = vector.shape_cast %select_n3A : vector<288x1024xf32> to vector<8x36x1024xf32>
    %get3A_15 = arith.constant 0 : index
    %get3A_16 = arith.constant 0 : index
    %get3A_17 = vector.load %arg10[%get3A_15, %get3A_16] : memref<1x2xf32, #tpu.memory_space<vmem>>, vector<1x1xf32>
    %get3A_18 = vector.extract %get3A_17[0, 0] : f32 from vector<1x1xf32>
    %get3A_19 = arith.constant 0 : index
    %get3A_20 = arith.constant 1 : index
    %get3A_21 = vector.load %arg10[%get3A_19, %get3A_20] : memref<1x2xf32, #tpu.memory_space<vmem>>, vector<1x1xf32>
    %get3A_22 = vector.extract %get3A_21[0, 0] : f32 from vector<1x1xf32>
    %get3A_23 = arith.constant 0 : index
    %get3A_24 = arith.constant 0 : index
    %get3A_25 = vector.load %arg3[%get3A_23, %get3A_24] : memref<8x1024xf32, #tpu.memory_space<vmem>>, vector<8x1024xf32>
    %broadcast_in_dim3A = vector.shape_cast %get3A_25 : vector<8x1024xf32> to vector<8x1x1024xf32>
    %mul3A_26 = vector.broadcast %broadcast_in_dim3A : vector<8x1x1024xf32> to vector<8x36x1024xf32>
    %mul3A_27 = arith.mulf %reshape3A_14, %mul3A_26 : vector<8x36x1024xf32>
    %reduce_sum3A = arith.constant dense<0.000000e+00> : vector<8x36xf32>
    %reduce_sum3A_28 = vector.multi_reduction <add>, %mul3A_27, %reduce_sum3A [2] : vector<8x36x1024xf32> to vector<8x36xf32>
    %add3A_29 = vector.broadcast %get3A_18 : f32 to vector<8x36xf32>
    %add3A_30 = arith.addf %reduce_sum3A_28, %add3A_29 : vector<8x36xf32>
    %mul3A_31 = arith.mulf %reshape3A, %reshape3A : vector<288x2048xf32>
    %reduce_sum3A_32 = arith.constant dense<0.000000e+00> : vector<288xf32>
    %reduce_sum3A_33 = vector.multi_reduction <add>, %mul3A_31, %reduce_sum3A_32 [1] : vector<288x2048xf32> to vector<288xf32>
    %sqrt3A = math.sqrt %reduce_sum3A_33 : vector<288xf32>
    %max3A = arith.constant 9.99999996E-13 : f32
    %max3A_34 = vector.broadcast %max3A : f32 to vector<288xf32>
    %max3A_35 = arith.maximumf %sqrt3A, %max3A_34 : vector<288xf32>
    %div3A = arith.constant 1.000000e+00 : f32
    %div3A_36 = vector.broadcast %div3A : f32 to vector<288xf32>
    %div3A_37 = arith.divf %div3A_36, %max3A_35 : vector<288xf32>
    %broadcast_in_dim3A_38 = vector.shape_cast %div3A_37 : vector<288xf32> to vector<288x1xf32>
    %mul3A_39 = vector.broadcast %broadcast_in_dim3A_38 : vector<288x1xf32> to vector<288x2048xf32>
    %mul3A_40 = arith.mulf %reshape3A, %mul3A_39 : vector<288x2048xf32>
    %convert_element_type3A_41 = arith.truncf %mul3A_40 : vector<288x2048xf32> to vector<288x2048xbf16>
    %dot_general3A_42 = arith.constant dense<0.000000e+00> : vector<288x288xf32>
    %dot_general3A_43 = tpu.matmul %convert_element_type3A_41, %convert_element_type3A_41, %dot_general3A_42 {dimension_numbers = #tpu.dot_dimension_numbers<[1], [1], [0], [0], [0, 0, 1, 0], [], []>, transpose_lhs_hint = false} : vector<288x2048xbf16>, vector<288x2048xbf16>, vector<288x288xf32> -> vector<288x288xf32>
    %slice3A = vector.extract_strided_slice %dot_general3A_43 {offsets = [0, 0], sizes = [36, 36], strides = [1, 1]} : vector<288x288xf32> to vector<36x36xf32>
    %broadcast_in_dim3A_44 = vector.shape_cast %slice3A : vector<36x36xf32> to vector<1x36x36xf32>
    %slice3A_45 = vector.extract_strided_slice %dot_general3A_43 {offsets = [36, 36], sizes = [36, 36], strides = [1, 1]} : vector<288x288xf32> to vector<36x36xf32>
    %broadcast_in_dim3A_46 = vector.shape_cast %slice3A_45 : vector<36x36xf32> to vector<1x36x36xf32>
    %slice3A_47 = vector.extract_strided_slice %dot_general3A_43 {offsets = [72, 72], sizes = [36, 36], strides = [1, 1]} : vector<288x288xf32> to vector<36x36xf32>
    %broadcast_in_dim3A_48 = vector.shape_cast %slice3A_47 : vector<36x36xf32> to vector<1x36x36xf32>
    %slice3A_49 = vector.extract_strided_slice %dot_general3A_43 {offsets = [108, 108], sizes = [36, 36], strides = [1, 1]} : vector<288x288xf32> to vector<36x36xf32>
    %broadcast_in_dim3A_50 = vector.shape_cast %slice3A_49 : vector<36x36xf32> to vector<1x36x36xf32>
    %slice3A_51 = vector.extract_strided_slice %dot_general3A_43 {offsets = [144, 144], sizes = [36, 36], strides = [1, 1]} : vector<288x288xf32> to vector<36x36xf32>
    %broadcast_in_dim3A_52 = vector.shape_cast %slice3A_51 : vector<36x36xf32> to vector<1x36x36xf32>
    %slice3A_53 = vector.extract_strided_slice %dot_general3A_43 {offsets = [180, 180], sizes = [36, 36], strides = [1, 1]} : vector<288x288xf32> to vector<36x36xf32>
    %broadcast_in_dim3A_54 = vector.shape_cast %slice3A_53 : vector<36x36xf32> to vector<1x36x36xf32>
    %slice3A_55 = vector.extract_strided_slice %dot_general3A_43 {offsets = [216, 216], sizes = [36, 36], strides = [1, 1]} : vector<288x288xf32> to vector<36x36xf32>
    %broadcast_in_dim3A_56 = vector.shape_cast %slice3A_55 : vector<36x36xf32> to vector<1x36x36xf32>
    %slice3A_57 = vector.extract_strided_slice %dot_general3A_43 {offsets = [252, 252], sizes = [36, 36], strides = [1, 1]} : vector<288x288xf32> to vector<36x36xf32>
    %broadcast_in_dim3A_58 = vector.shape_cast %slice3A_57 : vector<36x36xf32> to vector<1x36x36xf32>
    %concatenate3A = tpu.concatenate %broadcast_in_dim3A_44, %broadcast_in_dim3A_46, %broadcast_in_dim3A_48, %broadcast_in_dim3A_50, %broadcast_in_dim3A_52, %broadcast_in_dim3A_54, %broadcast_in_dim3A_56, %broadcast_in_dim3A_58 in 0 : vector<1x36x36xf32>, vector<1x36x36xf32>, vector<1x36x36xf32>, vector<1x36x36xf32>, vector<1x36x36xf32>, vector<1x36x36xf32>, vector<1x36x36xf32>, vector<1x36x36xf32> -> vector<8x36x36xf32>
    %get3A_59 = arith.constant 0 : index
    %get3A_60 = arith.constant 0 : index
    %get3A_61 = arith.constant 0 : index
    %get3A_62 = vector.load %arg2[%get3A_59, %get3A_60, %get3A_61] : memref<8x36x6xf32, #tpu.memory_space<vmem>>, vector<8x36x6xf32>
    %slice3A_63 = vector.extract_strided_slice %get3A_62 {offsets = [0, 0, 0], sizes = [8, 36, 1], strides = [1, 1, 1]} : vector<8x36x6xf32> to vector<8x36x1xf32>
    %slice3A_64 = vector.extract_strided_slice %get3A_62 {offsets = [0, 0, 1], sizes = [8, 36, 1], strides = [1, 1, 1]} : vector<8x36x6xf32> to vector<8x36x1xf32>
    %slice3A_65 = vector.extract_strided_slice %get3A_62 {offsets = [0, 0, 2], sizes = [8, 36, 1], strides = [1, 1, 1]} : vector<8x36x6xf32> to vector<8x36x1xf32>
    %slice3A_66 = vector.extract_strided_slice %get3A_62 {offsets = [0, 0, 3], sizes = [8, 36, 1], strides = [1, 1, 1]} : vector<8x36x6xf32> to vector<8x36x1xf32>
    %sub3A = arith.subf %slice3A_65, %slice3A_63 : vector<8x36x1xf32>
    %sub3A_67 = arith.subf %slice3A_66, %slice3A_64 : vector<8x36x1xf32>
    %mul3A_68 = arith.mulf %sub3A, %sub3A_67 : vector<8x36x1xf32>
    %broadcast_in_dim3A_69 = vector.shape_cast %slice3A_65 : vector<8x36x1xf32> to vector<8x1x36x1xf32>
    %broadcast_in_dim3A_70 = vector.shape_cast %slice3A_65 : vector<8x36x1xf32> to vector<8x36x1x1xf32>
    %min3A = vector.broadcast %broadcast_in_dim3A_69 : vector<8x1x36x1xf32> to vector<8x36x36x1xf32>
    %min3A_71 = vector.broadcast %broadcast_in_dim3A_70 : vector<8x36x1x1xf32> to vector<8x36x36x1xf32>
    %min3A_72 = arith.minimumf %min3A, %min3A_71 : vector<8x36x36x1xf32>
    %broadcast_in_dim3A_73 = vector.shape_cast %slice3A_63 : vector<8x36x1xf32> to vector<8x1x36x1xf32>
    %broadcast_in_dim3A_74 = vector.shape_cast %slice3A_63 : vector<8x36x1xf32> to vector<8x36x1x1xf32>
    %max3A_75 = vector.broadcast %broadcast_in_dim3A_73 : vector<8x1x36x1xf32> to vector<8x36x36x1xf32>
    %max3A_76 = vector.broadcast %broadcast_in_dim3A_74 : vector<8x36x1x1xf32> to vector<8x36x36x1xf32>
    %max3A_77 = arith.maximumf %max3A_75, %max3A_76 : vector<8x36x36x1xf32>
    %sub3A_78 = arith.subf %min3A_72, %max3A_77 : vector<8x36x36x1xf32>
    %broadcast_in_dim3A_79 = vector.shape_cast %slice3A_66 : vector<8x36x1xf32> to vector<8x1x36x1xf32>
    %broadcast_in_dim3A_80 = vector.shape_cast %slice3A_66 : vector<8x36x1xf32> to vector<8x36x1x1xf32>
    %min3A_81 = vector.broadcast %broadcast_in_dim3A_79 : vector<8x1x36x1xf32> to vector<8x36x36x1xf32>
    %min3A_82 = vector.broadcast %broadcast_in_dim3A_80 : vector<8x36x1x1xf32> to vector<8x36x36x1xf32>
    %min3A_83 = arith.minimumf %min3A_81, %min3A_82 : vector<8x36x36x1xf32>
    %broadcast_in_dim3A_84 = vector.shape_cast %slice3A_64 : vector<8x36x1xf32> to vector<8x1x36x1xf32>
    %broadcast_in_dim3A_85 = vector.shape_cast %slice3A_64 : vector<8x36x1xf32> to vector<8x36x1x1xf32>
    %max3A_86 = vector.broadcast %broadcast_in_dim3A_84 : vector<8x1x36x1xf32> to vector<8x36x36x1xf32>
    %max3A_87 = vector.broadcast %broadcast_in_dim3A_85 : vector<8x36x1x1xf32> to vector<8x36x36x1xf32>
    %max3A_88 = arith.maximumf %max3A_86, %max3A_87 : vector<8x36x36x1xf32>
    %sub3A_89 = arith.subf %min3A_83, %max3A_88 : vector<8x36x36x1xf32>
    %max3A_90 = arith.constant 0.000000e+00 : f32
    %max3A_91 = vector.broadcast %max3A_90 : f32 to vector<8x36x36x1xf32>
    %max3A_92 = arith.maximumf %sub3A_78, %max3A_91 : vector<8x36x36x1xf32>
    %max3A_93 = arith.constant 0.000000e+00 : f32
    %max3A_94 = vector.broadcast %max3A_93 : f32 to vector<8x36x36x1xf32>
    %max3A_95 = arith.maximumf %sub3A_89, %max3A_94 : vector<8x36x36x1xf32>
    %mul3A_96 = arith.mulf %max3A_92, %max3A_95 : vector<8x36x36x1xf32>
    %broadcast_in_dim3A_97 = vector.shape_cast %mul3A_68 : vector<8x36x1xf32> to vector<8x1x36x1xf32>
    %broadcast_in_dim3A_98 = vector.shape_cast %mul3A_68 : vector<8x36x1xf32> to vector<8x36x1x1xf32>
    %add3A_99 = vector.broadcast %broadcast_in_dim3A_97 : vector<8x1x36x1xf32> to vector<8x36x36x1xf32>
    %add3A_100 = vector.broadcast %broadcast_in_dim3A_98 : vector<8x36x1x1xf32> to vector<8x36x36x1xf32>
    %add3A_101 = arith.addf %add3A_99, %add3A_100 : vector<8x36x36x1xf32>
    %sub3A_102 = arith.subf %add3A_101, %mul3A_96 : vector<8x36x36x1xf32>
    %div3A_103 = arith.divf %mul3A_96, %sub3A_102 : vector<8x36x36x1xf32>
    %div3A_104 = vector.broadcast %broadcast_in_dim3A_97 : vector<8x1x36x1xf32> to vector<8x36x36x1xf32>
    %div3A_105 = arith.divf %mul3A_96, %div3A_104 : vector<8x36x36x1xf32>
    %div3A_106 = vector.broadcast %broadcast_in_dim3A_98 : vector<8x36x1x1xf32> to vector<8x36x36x1xf32>
    %div3A_107 = arith.divf %mul3A_96, %div3A_106 : vector<8x36x36x1xf32>
    %get3A_108 = arith.constant 0 : index
    %get3A_109 = arith.constant 0 : index
    %get3A_110 = vector.load %arg7[%get3A_108, %get3A_109] : memref<17x100xf32, #tpu.memory_space<vmem>>, vector<17x100xf32>
    %reshape3A_111 = vector.shape_cast %get3A_62 : vector<8x36x6xf32> to vector<288x6xf32>
    %slice3A_112 = vector.extract_strided_slice %get3A_110 {offsets = [2, 0], sizes = [6, 100], strides = [1, 1]} : vector<17x100xf32> to vector<6x100xf32>
    %dot_general3A_113 = arith.constant dense<0.000000e+00> : vector<288x100xf32>
    %dot_general3A_114 = tpu.matmul %reshape3A_111, %slice3A_112, %dot_general3A_113 {dimension_numbers = #tpu.dot_dimension_numbers<[1], [0], [0], [1], [0, 0, 1, 1], [], []>, transpose_lhs_hint = false} : vector<288x6xf32>, vector<6x100xf32>, vector<288x100xf32> -> vector<288x100xf32>
    %slice3A_115 = vector.extract_strided_slice %get3A_110 {offsets = [8, 0], sizes = [6, 100], strides = [1, 1]} : vector<17x100xf32> to vector<6x100xf32>
    %dot_general3A_116 = arith.constant dense<0.000000e+00> : vector<288x100xf32>
    %dot_general3A_117 = tpu.matmul %reshape3A_111, %slice3A_115, %dot_general3A_116 {dimension_numbers = #tpu.dot_dimension_numbers<[1], [0], [0], [1], [0, 0, 1, 1], [], []>, transpose_lhs_hint = false} : vector<288x6xf32>, vector<6x100xf32>, vector<288x100xf32> -> vector<288x100xf32>
    %reshape3A_118 = vector.shape_cast %dot_general3A_114 : vector<288x100xf32> to vector<8x36x100xf32>
    %reshape3A_119 = vector.shape_cast %dot_general3A_117 : vector<288x100xf32> to vector<8x36x100xf32>
    %get3A_120 = arith.constant 0 : index
    %get3A_121 = arith.constant 0 : index
    %get3A_122 = vector.load %arg4[%get3A_120, %get3A_121] : memref<8x1xf32, #tpu.memory_space<vmem>>, vector<8x1xf32>
    %reshape3A_123 = vector.shape_cast %get3A_122 : vector<8x1xf32> to vector<8x1x1x1xf32>
    %slice3A_124 = vector.extract_strided_slice %get3A_110 {offsets = [0, 0], sizes = [1, 100], strides = [1, 1]} : vector<17x100xf32> to vector<1x100xf32>
    %squeeze3A = vector.shape_cast %slice3A_124 : vector<1x100xf32> to vector<100xf32>
    %reshape3A_125 = vector.shape_cast %squeeze3A : vector<100xf32> to vector<1x1x1x100xf32>
    %mul3A_126 = vector.broadcast %reshape3A_123 : vector<8x1x1x1xf32> to vector<8x1x1x100xf32>
    %mul3A_127 = vector.broadcast %reshape3A_125 : vector<1x1x1x100xf32> to vector<8x1x1x100xf32>
    %mul3A_128 = arith.mulf %mul3A_126, %mul3A_127 : vector<8x1x1x100xf32>
    %broadcast_in_dim3A_129 = vector.shape_cast %concatenate3A : vector<8x36x36xf32> to vector<8x36x36x1xf32>
    %slice3A_130 = vector.extract_strided_slice %get3A_110 {offsets = [1, 0], sizes = [1, 100], strides = [1, 1]} : vector<17x100xf32> to vector<1x100xf32>
    %squeeze3A_131 = vector.shape_cast %slice3A_130 : vector<1x100xf32> to vector<100xf32>
    %reshape3A_132 = vector.shape_cast %squeeze3A_131 : vector<100xf32> to vector<1x1x1x100xf32>
    %mul3A_133 = vector.broadcast %broadcast_in_dim3A_129 : vector<8x36x36x1xf32> to vector<8x36x36x100xf32>
    %mul3A_134 = vector.broadcast %reshape3A_132 : vector<1x1x1x100xf32> to vector<8x36x36x100xf32>
    %mul3A_135 = arith.mulf %mul3A_133, %mul3A_134 : vector<8x36x36x100xf32>
    %add3A_136 = vector.broadcast %mul3A_128 : vector<8x1x1x100xf32> to vector<8x36x36x100xf32>
    %add3A_137 = arith.addf %add3A_136, %mul3A_135 : vector<8x36x36x100xf32>
    %broadcast_in_dim3A_138 = vector.shape_cast %reshape3A_118 : vector<8x36x100xf32> to vector<8x1x36x100xf32>
    %add3A_139 = vector.broadcast %broadcast_in_dim3A_138 : vector<8x1x36x100xf32> to vector<8x36x36x100xf32>
    %add3A_140 = arith.addf %add3A_137, %add3A_139 : vector<8x36x36x100xf32>
    %broadcast_in_dim3A_141 = vector.shape_cast %reshape3A_119 : vector<8x36x100xf32> to vector<8x36x1x100xf32>
    %add3A_142 = vector.broadcast %broadcast_in_dim3A_141 : vector<8x36x1x100xf32> to vector<8x36x36x100xf32>
    %add3A_143 = arith.addf %add3A_140, %add3A_142 : vector<8x36x36x100xf32>
    %slice3A_144 = vector.extract_strided_slice %get3A_110 {offsets = [14, 0], sizes = [1, 100], strides = [1, 1]} : vector<17x100xf32> to vector<1x100xf32>
    %squeeze3A_145 = vector.shape_cast %slice3A_144 : vector<1x100xf32> to vector<100xf32>
    %reshape3A_146 = vector.shape_cast %squeeze3A_145 : vector<100xf32> to vector<1x1x1x100xf32>
    %mul3A_147 = vector.broadcast %div3A_103 : vector<8x36x36x1xf32> to vector<8x36x36x100xf32>
    %mul3A_148 = vector.broadcast %reshape3A_146 : vector<1x1x1x100xf32> to vector<8x36x36x100xf32>
    %mul3A_149 = arith.mulf %mul3A_147, %mul3A_148 : vector<8x36x36x100xf32>
    %add3A_150 = arith.addf %add3A_143, %mul3A_149 : vector<8x36x36x100xf32>
    %slice3A_151 = vector.extract_strided_slice %get3A_110 {offsets = [15, 0], sizes = [1, 100], strides = [1, 1]} : vector<17x100xf32> to vector<1x100xf32>
    %squeeze3A_152 = vector.shape_cast %slice3A_151 : vector<1x100xf32> to vector<100xf32>
    %reshape3A_153 = vector.shape_cast %squeeze3A_152 : vector<100xf32> to vector<1x1x1x100xf32>
    %mul3A_154 = vector.broadcast %div3A_105 : vector<8x36x36x1xf32> to vector<8x36x36x100xf32>
    %mul3A_155 = vector.broadcast %reshape3A_153 : vector<1x1x1x100xf32> to vector<8x36x36x100xf32>
    %mul3A_156 = arith.mulf %mul3A_154, %mul3A_155 : vector<8x36x36x100xf32>
    %add3A_157 = arith.addf %add3A_150, %mul3A_156 : vector<8x36x36x100xf32>
    %slice3A_158 = vector.extract_strided_slice %get3A_110 {offsets = [16, 0], sizes = [1, 100], strides = [1, 1]} : vector<17x100xf32> to vector<1x100xf32>
    %squeeze3A_159 = vector.shape_cast %slice3A_158 : vector<1x100xf32> to vector<100xf32>
    %reshape3A_160 = vector.shape_cast %squeeze3A_159 : vector<100xf32> to vector<1x1x1x100xf32>
    %mul3A_161 = vector.broadcast %div3A_107 : vector<8x36x36x1xf32> to vector<8x36x36x100xf32>
    %mul3A_162 = vector.broadcast %reshape3A_160 : vector<1x1x1x100xf32> to vector<8x36x36x100xf32>
    %mul3A_163 = arith.mulf %mul3A_161, %mul3A_162 : vector<8x36x36x100xf32>
    %add3A_164 = arith.addf %add3A_157, %mul3A_163 : vector<8x36x36x100xf32>
    %get3A_165 = arith.constant 0 : index
    %get3A_166 = arith.constant 0 : index
    %get3A_167 = vector.load %arg8[%get3A_165, %get3A_166] : memref<1x100xf32, #tpu.memory_space<vmem>>, vector<1x100xf32>
    %reshape3A_168 = vector.shape_cast %get3A_167 : vector<1x100xf32> to vector<1x1x1x100xf32>
    %add3A_169 = vector.broadcast %reshape3A_168 : vector<1x1x1x100xf32> to vector<8x36x36x100xf32>
    %add3A_170 = arith.addf %add3A_164, %add3A_169 : vector<8x36x36x100xf32>
    %jit3A_171 = arith.constant 0.00999999977 : f32
    %ge3A_172 = arith.constant 0.000000e+00 : f32
    %ge3A_173 = vector.broadcast %ge3A_172 : f32 to vector<8x36x36x100xf32>
    %ge3A_174 = arith.cmpf oge, %add3A_170, %ge3A_173 : vector<8x36x36x100xf32>
    %mul3A_175 = vector.broadcast %jit3A_171 : f32 to vector<8x36x36x100xf32>
    %mul3A_176 = arith.mulf %mul3A_175, %add3A_170 : vector<8x36x36x100xf32>
    %select_n3A_177 = arith.select %ge3A_174, %add3A_170, %mul3A_176 : vector<8x36x36x100xi1>, vector<8x36x36x100xf32>
    %get3A_178 = arith.constant 0 : index
    %get3A_179 = arith.constant 0 : index
    %get3A_180 = vector.load %arg9[%get3A_178, %get3A_179] : memref<1x100xf32, #tpu.memory_space<vmem>>, vector<1x100xf32>
    %reshape3A_181 = vector.shape_cast %get3A_180 : vector<1x100xf32> to vector<1x1x1x100xf32>
    %mul3A_182 = vector.broadcast %reshape3A_181 : vector<1x1x1x100xf32> to vector<8x36x36x100xf32>
    %mul3A_183 = arith.mulf %select_n3A_177, %mul3A_182 : vector<8x36x36x100xf32>
    %reduce_sum3A_184 = arith.constant dense<0.000000e+00> : vector<8x36x36xf32>
    %reduce_sum3A_185 = vector.multi_reduction <add>, %mul3A_183, %reduce_sum3A_184 [3] : vector<8x36x36x100xf32> to vector<8x36x36xf32>
    %add3A_186 = vector.broadcast %get3A_22 : f32 to vector<8x36x36xf32>
    %add3A_187 = arith.addf %reduce_sum3A_185, %add3A_186 : vector<8x36x36xf32>
    %broadcast_in_dim3A_188 = vector.shape_cast %add3A_30 : vector<8x36xf32> to vector<8x36x1xf32>
    %concatenate3A_189 = tpu.concatenate %broadcast_in_dim3A_188, %add3A_187 in 2 : vector<8x36x1xf32>, vector<8x36x36xf32> -> vector<8x36x37xf32>
    %swap3A = arith.constant 0 : index
    %swap3A_190 = arith.constant 0 : index
    %swap3A_191 = arith.constant 0 : index
    %swap3A_192 = vector.load %arg11[%swap3A, %swap3A_190, %swap3A_191] : memref<8x36x37xf32, #tpu.memory_space<vmem>>, vector<8x36x37xf32>
    tpu.vector_store %arg11[%swap3A, %swap3A_190, %swap3A_191], %concatenate3A_189 {strides = array<i32>} : memref<8x36x37xf32, #tpu.memory_space<vmem>>, vector<8x36x37xf32>,
    return
  }
  func.func @transform_0(%arg0: i32) -> (i32, i32, i32) {
    %c0_i32 = arith.constant 0 : i32
    %c0_i32_0 = arith.constant 0 : i32
    %c0_i32_1 = arith.constant 0 : i32
    return %arg0, %c0_i32, %c0_i32_0 : i32, i32, i32
  }
  func.func @transform_1(%arg0: i32) -> (i32, i32, i32) {
    %c0_i32 = arith.constant 0 : i32
    %c0_i32_0 = arith.constant 0 : i32
    %c0_i32_1 = arith.constant 0 : i32
    return %arg0, %c0_i32, %c0_i32_0 : i32, i32, i32
  }
  func.func @transform_2(%arg0: i32) -> (i32, i32) {
    %c0_i32 = arith.constant 0 : i32
    %c0_i32_0 = arith.constant 0 : i32
    return %arg0, %c0_i32 : i32, i32
  }
  func.func @transform_3(%arg0: i32) -> (i32, i32) {
    %c0_i32 = arith.constant 0 : i32
    %c0_i32_0 = arith.constant 0 : i32
    return %arg0, %c0_i32 : i32, i32
  }
  func.func @transform_4(%arg0: i32) -> (i32, i32) {
    %c0_i32 = arith.constant 0 : i32
    %c0_i32_0 = arith.constant 0 : i32
    %c0_i32_1 = arith.constant 0 : i32
    return %c0_i32, %c0_i32_0 : i32, i32
  }
  func.func @transform_5(%arg0: i32) -> (i32, i32) {
    %c0_i32 = arith.constant 0 : i32
    %c0_i32_0 = arith.constant 0 : i32
    %c0_i32_1 = arith.constant 0 : i32
    return %c0_i32, %c0_i32_0 : i32, i32
  }
  func.func @transform_6(%arg0: i32) -> (i32, i32) {
    %c0_i32 = arith.constant 0 : i32
    %c0_i32_0 = arith.constant 0 : i32
    %c0_i32_1 = arith.constant 0 : i32
    return %c0_i32, %c0_i32_0 : i32, i32
  }
  func.func @transform_7(%arg0: i32) -> (i32, i32) {
    %c0_i32 = arith.constant 0 : i32
    %c0_i32_0 = arith.constant 0 : i32
    %c0_i32_1 = arith.constant 0 : i32
    return %c0_i32, %c0_i32_0 : i32, i32
  }
  func.func @transform_8(%arg0: i32) -> (i32, i32) {
    %c0_i32 = arith.constant 0 : i32
    %c0_i32_0 = arith.constant 0 : i32
    %c0_i32_1 = arith.constant 0 : i32
    return %c0_i32, %c0_i32_0 : i32, i32
  }
  func.func @transform_9(%arg0: i32) -> (i32, i32) {
    %c0_i32 = arith.constant 0 : i32
    %c0_i32_0 = arith.constant 0 : i32
    %c0_i32_1 = arith.constant 0 : i32
    return %c0_i32, %c0_i32_0 : i32, i32
  }
  func.func @transform_10(%arg0: i32) -> (i32, i32, i32) {
    %c0_i32 = arith.constant 0 : i32
    %c0_i32_0 = arith.constant 0 : i32
    %c0_i32_1 = arith.constant 0 : i32
    return %arg0, %c0_i32, %c0_i32_0 : i32, i32, i32
  }
}

module attributes {stable_mosaic.version = 14 : i64} {
  func.func @_gru_body(%arg0: i32, %arg1: memref<1x128x3072xf32, #tpu.memory_space<vmem>>, %arg2: memref<3072x1024xf32, #tpu.memory_space<vmem>>, %arg3: memref<1x3072xf32, #tpu.memory_space<vmem>>, %arg4: memref<1024x1024xf32, #tpu.memory_space<vmem>>, %arg5: memref<1x1024xf32, #tpu.memory_space<vmem>>, %arg6: memref<1x1024xf32, #tpu.memory_space<vmem>>, %arg7: memref<1x1024xf32, #tpu.memory_space<vmem>>, %arg8: memref<1x1xf32, #tpu.memory_space<vmem>>, %arg9: memref<128x1024xf32, #tpu.memory_space<vmem>>, %arg10: memref<128x1xf32, #tpu.memory_space<vmem>>, %arg11: memref<128x1024xf32, #tpu.memory_space<vmem>>) attributes {dimension_semantics = [#tpu.dimension_semantics<arbitrary>], iteration_bounds = array<i64: 20>, scalar_prefetch = 0 : i64, scratch_operands = 1 : i64, tpu.core_type = #tpu.core_type<tc>, window_params = [{transform_indices = @transform_0, window_bounds = array<i64: 1, 128, 3072>}, {pipeline_mode = #tpu.pipeline_mode<synchronous>, transform_indices = @transform_1, window_bounds = array<i64: 3072, 1024>}, {pipeline_mode = #tpu.pipeline_mode<synchronous>, transform_indices = @transform_2, window_bounds = array<i64: 1, 3072>}, {pipeline_mode = #tpu.pipeline_mode<synchronous>, transform_indices = @transform_3, window_bounds = array<i64: 1024, 1024>}, {pipeline_mode = #tpu.pipeline_mode<synchronous>, transform_indices = @transform_4, window_bounds = array<i64: 1, 1024>}, {pipeline_mode = #tpu.pipeline_mode<synchronous>, transform_indices = @transform_5, window_bounds = array<i64: 1, 1024>}, {pipeline_mode = #tpu.pipeline_mode<synchronous>, transform_indices = @transform_6, window_bounds = array<i64: 1, 1024>}, {pipeline_mode = #tpu.pipeline_mode<synchronous>, transform_indices = @transform_7, window_bounds = array<i64: 1, 1>}, {pipeline_mode = #tpu.pipeline_mode<synchronous>, transform_indices = @transform_8, window_bounds = array<i64: 128, 1024>}, {pipeline_mode = #tpu.pipeline_mode<synchronous>, transform_indices = @transform_9, window_bounds = array<i64: 128, 1>}]} {
    %eq3A = arith.constant 0 : i32
    %eq3A_0 = arith.cmpi eq, %arg0, %eq3A : i32
    %convert_element_type3A = arith.extui %eq3A_0 : i1 to i32
    %cond3A = arith.constant 0 : i32
    %cond3A_1 = arith.cmpi ne, %convert_element_type3A, %cond3A : i32
    scf.if %cond3A_1 {
      %broadcast_in_dim3A = arith.constant 0.000000e+00 : f32
      %broadcast_in_dim3A_48 = vector.broadcast %broadcast_in_dim3A : f32 to vector<128x1024xf32>
      %swap3A_49 = arith.constant 0 : index
      %swap3A_50 = arith.constant 0 : index
      %swap3A_51 = vector.load %arg11[%swap3A_49, %swap3A_50] : memref<128x1024xf32, #tpu.memory_space<vmem>>, vector<128x1024xf32>
      tpu.vector_store %arg11[%swap3A_49, %swap3A_50], %broadcast_in_dim3A_48 {strides = array<i32>} : memref<128x1024xf32, #tpu.memory_space<vmem>>, vector<128x1024xf32>,
    } else {
    }
    %get3A = arith.constant 0 : index
    %get3A_2 = arith.constant 0 : index
    %get3A_3 = vector.load %arg11[%get3A, %get3A_2] : memref<128x1024xf32, #tpu.memory_space<vmem>>, vector<128x1024xf32>
    %get3A_4 = arith.constant 0 : index
    %get3A_5 = arith.constant 0 : index
    %get3A_6 = arith.constant 0 : index
    %get3A_7 = vector.load %arg1[%get3A_4, %get3A_5, %get3A_6] : memref<1x128x3072xf32, #tpu.memory_space<vmem>>, vector<1x128x3072xf32>
    %get3A_8 = vector.shape_cast %get3A_7 : vector<1x128x3072xf32> to vector<128x3072xf32>
    %get3A_9 = arith.constant 0 : index
    %get3A_10 = arith.constant 0 : index
    %get3A_11 = vector.load %arg2[%get3A_9, %get3A_10] : memref<3072x1024xf32, #tpu.memory_space<vmem>>, vector<3072x1024xf32>
    %dot_general3A = arith.constant dense<0.000000e+00> : vector<128x3072xf32>
    %dot_general3A_12 = tpu.matmul %get3A_3, %get3A_11, %dot_general3A {dimension_numbers = #tpu.dot_dimension_numbers<[1], [1], [0], [0], [0, 0, 1, 0], [], []>, transpose_lhs_hint = false} : vector<128x1024xf32>, vector<3072x1024xf32>, vector<128x3072xf32> -> vector<128x3072xf32>
    %get3A_13 = arith.constant 0 : index
    %get3A_14 = arith.constant 0 : index
    %get3A_15 = vector.load %arg3[%get3A_13, %get3A_14] : memref<1x3072xf32, #tpu.memory_space<vmem>>, vector<1x3072xf32>
    %add3A = vector.broadcast %get3A_15 : vector<1x3072xf32> to vector<128x3072xf32>
    %add3A_16 = arith.addf %dot_general3A_12, %add3A : vector<128x3072xf32>
    %slice3A = vector.extract_strided_slice %get3A_8 {offsets = [0, 0], sizes = [128, 1024], strides = [1, 1]} : vector<128x3072xf32> to vector<128x1024xf32>
    %slice3A_17 = vector.extract_strided_slice %get3A_8 {offsets = [0, 1024], sizes = [128, 1024], strides = [1, 1]} : vector<128x3072xf32> to vector<128x1024xf32>
    %slice3A_18 = vector.extract_strided_slice %get3A_8 {offsets = [0, 2048], sizes = [128, 1024], strides = [1, 1]} : vector<128x3072xf32> to vector<128x1024xf32>
    %slice3A_19 = vector.extract_strided_slice %add3A_16 {offsets = [0, 0], sizes = [128, 1024], strides = [1, 1]} : vector<128x3072xf32> to vector<128x1024xf32>
    %slice3A_20 = vector.extract_strided_slice %add3A_16 {offsets = [0, 1024], sizes = [128, 1024], strides = [1, 1]} : vector<128x3072xf32> to vector<128x1024xf32>
    %slice3A_21 = vector.extract_strided_slice %add3A_16 {offsets = [0, 2048], sizes = [128, 1024], strides = [1, 1]} : vector<128x3072xf32> to vector<128x1024xf32>
    %add3A_22 = arith.addf %slice3A, %slice3A_19 : vector<128x1024xf32>
    %logistic3A = arith.negf %add3A_22 : vector<128x1024xf32>
    %logistic3A_23 = math.exp %logistic3A : vector<128x1024xf32>
    %logistic3A_24 = arith.constant 1.000000e+00 : f32
    %logistic3A_25 = vector.broadcast %logistic3A_24 : f32 to vector<128x1024xf32>
    %logistic3A_26 = arith.addf %logistic3A_25, %logistic3A_23 : vector<128x1024xf32>
    %logistic3A_27 = arith.divf %logistic3A_25, %logistic3A_26 : vector<128x1024xf32>
    %add3A_28 = arith.addf %slice3A_17, %slice3A_20 : vector<128x1024xf32>
    %logistic3A_29 = arith.negf %add3A_28 : vector<128x1024xf32>
    %logistic3A_30 = math.exp %logistic3A_29 : vector<128x1024xf32>
    %logistic3A_31 = arith.constant 1.000000e+00 : f32
    %logistic3A_32 = vector.broadcast %logistic3A_31 : f32 to vector<128x1024xf32>
    %logistic3A_33 = arith.addf %logistic3A_32, %logistic3A_30 : vector<128x1024xf32>
    %logistic3A_34 = arith.divf %logistic3A_32, %logistic3A_33 : vector<128x1024xf32>
    %mul3A = arith.mulf %logistic3A_27, %slice3A_21 : vector<128x1024xf32>
    %add3A_35 = arith.addf %slice3A_18, %mul3A : vector<128x1024xf32>
    %tanh3A = math.tanh %add3A_35 : vector<128x1024xf32>
    %sub3A = arith.constant 1.000000e+00 : f32
    %sub3A_36 = vector.broadcast %sub3A : f32 to vector<128x1024xf32>
    %sub3A_37 = arith.subf %sub3A_36, %logistic3A_34 : vector<128x1024xf32>
    %mul3A_38 = arith.mulf %sub3A_37, %tanh3A : vector<128x1024xf32>
    %mul3A_39 = arith.mulf %logistic3A_34, %get3A_3 : vector<128x1024xf32>
    %add3A_40 = arith.addf %mul3A_38, %mul3A_39 : vector<128x1024xf32>
    %swap3A = arith.constant 0 : index
    %swap3A_41 = arith.constant 0 : index
    %swap3A_42 = vector.load %arg11[%swap3A, %swap3A_41] : memref<128x1024xf32, #tpu.memory_space<vmem>>, vector<128x1024xf32>
    tpu.vector_store %arg11[%swap3A, %swap3A_41], %add3A_40 {strides = array<i32>} : memref<128x1024xf32, #tpu.memory_space<vmem>>, vector<128x1024xf32>,
    %eq3A_43 = arith.constant 19 : i32
    %eq3A_44 = arith.cmpi eq, %arg0, %eq3A_43 : i32
    %convert_element_type3A_45 = arith.extui %eq3A_44 : i1 to i32
    %cond3A_46 = arith.constant 0 : i32
    %cond3A_47 = arith.cmpi ne, %convert_element_type3A_45, %cond3A_46 : i32
    scf.if %cond3A_47 {
      %get3A_48 = arith.constant 0 : index
      %get3A_49 = arith.constant 0 : index
      %get3A_50 = vector.load %arg4[%get3A_48, %get3A_49] : memref<1024x1024xf32, #tpu.memory_space<vmem>>, vector<1024x1024xf32>
      %dot_general3A_51 = arith.constant dense<0.000000e+00> : vector<128x1024xf32>
      %dot_general3A_52 = tpu.matmul %add3A_40, %get3A_50, %dot_general3A_51 {dimension_numbers = #tpu.dot_dimension_numbers<[1], [1], [0], [0], [0, 0, 1, 0], [], []>, transpose_lhs_hint = false} : vector<128x1024xf32>, vector<1024x1024xf32>, vector<128x1024xf32> -> vector<128x1024xf32>
      %get3A_53 = arith.constant 0 : index
      %get3A_54 = arith.constant 0 : index
      %get3A_55 = vector.load %arg5[%get3A_53, %get3A_54] : memref<1x1024xf32, #tpu.memory_space<vmem>>, vector<1x1024xf32>
      %add3A_56 = vector.broadcast %get3A_55 : vector<1x1024xf32> to vector<128x1024xf32>
      %add3A_57 = arith.addf %dot_general3A_52, %add3A_56 : vector<128x1024xf32>
      %jit3A = arith.constant 0.00999999977 : f32
      %ge3A = arith.constant 0.000000e+00 : f32
      %ge3A_58 = vector.broadcast %ge3A : f32 to vector<128x1024xf32>
      %ge3A_59 = arith.cmpf oge, %add3A_57, %ge3A_58 : vector<128x1024xf32>
      %mul3A_60 = vector.broadcast %jit3A : f32 to vector<128x1024xf32>
      %mul3A_61 = arith.mulf %mul3A_60, %add3A_57 : vector<128x1024xf32>
      %select_n3A = arith.select %ge3A_59, %add3A_57, %mul3A_61 : vector<128x1024xi1>, vector<128x1024xf32>
      %get3A_62 = arith.constant 0 : index
      %get3A_63 = arith.constant 0 : index
      %get3A_64 = vector.load %arg6[%get3A_62, %get3A_63] : memref<1x1024xf32, #tpu.memory_space<vmem>>, vector<1x1024xf32>
      %mul3A_65 = vector.broadcast %get3A_64 : vector<1x1024xf32> to vector<128x1024xf32>
      %mul3A_66 = arith.mulf %select_n3A, %mul3A_65 : vector<128x1024xf32>
      %swap3A_67 = arith.constant 0 : index
      %swap3A_68 = arith.constant 0 : index
      %swap3A_69 = vector.load %arg9[%swap3A_67, %swap3A_68] : memref<128x1024xf32, #tpu.memory_space<vmem>>, vector<128x1024xf32>
      tpu.vector_store %arg9[%swap3A_67, %swap3A_68], %mul3A_66 {strides = array<i32>} : memref<128x1024xf32, #tpu.memory_space<vmem>>, vector<128x1024xf32>,
      %get3A_70 = arith.constant 0 : index
      %get3A_71 = arith.constant 0 : index
      %get3A_72 = vector.load %arg7[%get3A_70, %get3A_71] : memref<1x1024xf32, #tpu.memory_space<vmem>>, vector<1x1024xf32>
      %mul3A_73 = vector.broadcast %get3A_72 : vector<1x1024xf32> to vector<128x1024xf32>
      %mul3A_74 = arith.mulf %add3A_40, %mul3A_73 : vector<128x1024xf32>
      %reduce_sum3A = arith.constant dense<0.000000e+00> : vector<128xf32>
      %reduce_sum3A_75 = vector.multi_reduction <add>, %mul3A_74, %reduce_sum3A [1] : vector<128x1024xf32> to vector<128xf32>
      %broadcast_in_dim3A = vector.shape_cast %reduce_sum3A_75 : vector<128xf32> to vector<128x1xf32>
      %get3A_76 = arith.constant 0 : index
      %get3A_77 = arith.constant 0 : index
      %get3A_78 = vector.load %arg8[%get3A_76, %get3A_77] : memref<1x1xf32, #tpu.memory_space<vmem>>, vector<1x1xf32>
      %add3A_79 = vector.broadcast %get3A_78 : vector<1x1xf32> to vector<128x1xf32>
      %add3A_80 = arith.addf %broadcast_in_dim3A, %add3A_79 : vector<128x1xf32>
      %swap3A_81 = arith.constant 0 : index
      %swap3A_82 = arith.constant 0 : index
      %swap3A_83 = vector.load %arg10[%swap3A_81, %swap3A_82] : memref<128x1xf32, #tpu.memory_space<vmem>>, vector<128x1xf32>
      tpu.vector_store %arg10[%swap3A_81, %swap3A_82], %add3A_80 {strides = array<i32>} : memref<128x1xf32, #tpu.memory_space<vmem>>, vector<128x1xf32>,
    } else {
    }
    return
  }
  func.func @transform_0(%arg0: i32) -> (i32, i32, i32) {
    %c0_i32 = arith.constant 0 : i32
    %c0_i32_0 = arith.constant 0 : i32
    %c0_i32_1 = arith.constant 0 : i32
    return %arg0, %c0_i32, %c0_i32_0 : i32, i32, i32
  }
  func.func @transform_1(%arg0: i32) -> (i32, i32) {
    %c0_i32 = arith.constant 0 : i32
    %c0_i32_0 = arith.constant 0 : i32
    %c0_i32_1 = arith.constant 0 : i32
    return %c0_i32, %c0_i32_0 : i32, i32
  }
  func.func @transform_2(%arg0: i32) -> (i32, i32) {
    %c0_i32 = arith.constant 0 : i32
    %c0_i32_0 = arith.constant 0 : i32
    %c0_i32_1 = arith.constant 0 : i32
    return %c0_i32, %c0_i32_0 : i32, i32
  }
  func.func @transform_3(%arg0: i32) -> (i32, i32) {
    %c0_i32 = arith.constant 0 : i32
    %c0_i32_0 = arith.constant 0 : i32
    %c0_i32_1 = arith.constant 0 : i32
    return %c0_i32, %c0_i32_0 : i32, i32
  }
  func.func @transform_4(%arg0: i32) -> (i32, i32) {
    %c0_i32 = arith.constant 0 : i32
    %c0_i32_0 = arith.constant 0 : i32
    %c0_i32_1 = arith.constant 0 : i32
    return %c0_i32, %c0_i32_0 : i32, i32
  }
  func.func @transform_5(%arg0: i32) -> (i32, i32) {
    %c0_i32 = arith.constant 0 : i32
    %c0_i32_0 = arith.constant 0 : i32
    %c0_i32_1 = arith.constant 0 : i32
    return %c0_i32, %c0_i32_0 : i32, i32
  }
  func.func @transform_6(%arg0: i32) -> (i32, i32) {
    %c0_i32 = arith.constant 0 : i32
    %c0_i32_0 = arith.constant 0 : i32
    %c0_i32_1 = arith.constant 0 : i32
    return %c0_i32, %c0_i32_0 : i32, i32
  }
  func.func @transform_7(%arg0: i32) -> (i32, i32) {
    %c0_i32 = arith.constant 0 : i32
    %c0_i32_0 = arith.constant 0 : i32
    %c0_i32_1 = arith.constant 0 : i32
    return %c0_i32, %c0_i32_0 : i32, i32
  }
  func.func @transform_8(%arg0: i32) -> (i32, i32) {
    %c0_i32 = arith.constant 0 : i32
    %c0_i32_0 = arith.constant 0 : i32
    %c0_i32_1 = arith.constant 0 : i32
    return %c0_i32, %c0_i32_0 : i32, i32
  }
  func.func @transform_9(%arg0: i32) -> (i32, i32) {
    %c0_i32 = arith.constant 0 : i32
    %c0_i32_0 = arith.constant 0 : i32
    %c0_i32_1 = arith.constant 0 : i32
    return %c0_i32, %c0_i32_0 : i32, i32
  }
}

</mosaic_0001>

<sc_bundles>
// kernel: kernel.7.cloned.1.call-start
scs
__scs_entry_jumppad:
0x0: {  	(pc) =	sbr.rel $0x88, $3  }
0x1: {  	(tag) =	ssettag $0x0;
	lr =	simm.s32 $0x1  }
0x2: {  	[smem:$0x3F8D] =	sst lr;
	_ =	strace $0xD0000000  }
0x3: {  	_ = 	snop  }
0x4: {  	_ = 	snop  }
0x5: {  	_ = 	snop  }
0x6: {  	_ = 	snop  }
0x7: {  	_ = 	snop  }
__scs_overlays_trampoline_lowered:
0x8: {  	[smem:$0x3F9C] =	sst s0  }
0x9: {  	[smem:$0x3F9D] =	sst s1  }
0xa: {  	[smem:$0x3F9E] =	sst s2  }
0xb: {  	[smem:$0x3F9F] =	sst s3  }
0xc: {  	[smem:$0x3FA0] =	sst s4  }
0xd: {  	[smem:$0x3FA1] =	sst s5  }
0xe: {  	[smem:$0x3FA2] =	sst s6  }
0xf: {  	[smem:$0x3FA3] =	sst s7  }
0x10: {  	[smem:$0x3FA4] =	sst s8  }
0x11: {  	[smem:$0x3FA5] =	sst s9;
	s0 =	simm.s32 @!p0 $0x0  }
0x12: {  	s1 =	sld [smem:$0x3F8B];
	s0 =	simm.s32 @p0 $0x1  }
0x13: {  	[smem:$0x3FA6] =	sst s0;
	s0 =	simm.s32 @!p1 $0x0  }
0x14: {  	s2 =	sld [smem:$0x3F8A];
	s0 =	simm.s32 @p1 $0x1  }
0x15: {  	[smem:$0x3FA7] =	sst s0;
	s0 =	simm.s32 @!p2 $0x0  }
0x16: {  	s3 =	sld [smem:$0x3FDB];
	s0 =	simm.s32 @p2 $0x1  }
0x17: {  	s4 =	simm.s32 $0x1BF5;
	[smem:$0x3FA9] =	sst s0  }
0x18: {  	s0 =	sld [smem:$0x3F8C];
	_ =	swait.ge [sflag:s4], $0x0  }
0x19: {  	s7 =	sld [smem:$0x3F8D]  }
0x1a: {  	s8 =	sadd.s32 $0xFFFFE003, lr  }
0x1b: {  	s9 =	sadd.s32 $0xFFFFFEF7, lr;
	s5 =	simm.s32 $0xFFFFFFFF;
	p2 =	slt.u32 s8, $0xFFFFF086  }
0x1c: {  	p1 =	slt.u32 s9, $0xF7A;
	s5 =	simm.s32 @!p2 $0x0  }
0x1d: {  	s5 =	simm.s32 @p1 $0x1;
	p0 =	seq.s32 s7, s2  }
0x1e: {  	s7 =	smul.u32 @!p0 $0xF7A, s2;
	p2 =	seq.s32 @!p0 s5, $0x0  }
0x1f: {  	s9 =	smul.u32 $0xF7A, s1;
	s8 =	simm.s32 @!p0 $0x1BF5;
	p2 =	por !p2, p0  }
0x20: {  	[sflag:s8] =	ssyncset.s32 @!p0 $0xFFFFF086;
	s6 =	sadd.s32 @!p0 s3, s7;
	s7 =	simm.s32 @!p0 $0x108  }
0x21: {  	s3 =	sadd.s32 s3, s9;
	s6 =	sadd.s32 @!p0 $0x88, s6;
	s7 =	simm.s32 @p2 $0x1082  }
0x22: {  	[simem:s7], [sflag:s8] =	dma.local @!p0 [hbm:s6], $0xF7A  }
0x23: {  	s9 =	sor.u32 $0xD0000000, s2;
	s6 =	simm.s32 $0x108;
	_ =	swait.ge @!p0 [sflag:s8], $0x0  }
0x24: {  	s3 =	sadd.s32 $0x88, s3;
	s6 =	simm.s32 @!p1 $0x1082;
	[sflag:s4] =	ssyncset.s32 $0xFFFFF086  }
0x25: {  	[simem:s6], [sflag:s4] =	dma.local [hbm:s3], $0xF7A  }
0x26: {  	[smem:$0x3F8D] =	sst s1;
	(tag) =	ssettag s2;
	_ =	strace s9  }
0x27: {  	s1 =	sld [smem:$0x3F9D]  }
0x28: {  	s2 =	sld [smem:$0x3F9E]  }
0x29: {  	s4 =	sld [smem:$0x3FA0]  }
0x2a: {  	p0 =	seq.s32 s5, $0x0;
	s5 =	sld [smem:$0x3FA1]  }
0x2b: {  	s6 =	sld [smem:$0x3FA2]  }
0x2c: {  	s7 =	sld [smem:$0x3FA3]  }
0x2d: {  	s3 =	simm.s32 $0x108;
	s8 =	sld [smem:$0x3FA4]  }
0x2e: {  	s3 =	simm.s32 @!p0 $0x1082;
	s9 =	sld [smem:$0x3FA5]  }
0x2f: {  	lr =	sadd.s32 s0, s3;
	s0 =	sld [smem:$0x3F9C]  }
0x30: {  	s3 =	sld [smem:$0x3F9F]  }
0x31: {  	[smem:$0x3FA8] =	sst s10  }
0x32: {  	s10 =	sld [smem:$0x3FA6];
	_ =	sdelay $0x3  }
0x33: {  	p0 =	seq.s32 s10, $0x1;
	s10 =	sld [smem:$0x3FA8];
	_ =	sdelay $0x3  }
0x34: {  	[smem:$0x3FA8] =	sst s10  }
0x35: {  	s10 =	sld [smem:$0x3FA7];
	_ =	sdelay $0x3  }
0x36: {  	p1 =	seq.s32 s10, $0x1;
	s10 =	sld [smem:$0x3FA8];
	_ =	sdelay $0x3  }
0x37: {  	[smem:$0x3FA8] =	sst s10  }
0x38: {  	s10 =	sld [smem:$0x3FA9]  }
0x39: {  	_ = 	snop;
	(pc) =	sbr.ind lr, $3  }
0x3a: {  	_ = 	snop  }
0x3b: {  	_ = 	snop  }
0x3c: {  	p2 =	seq.s32 s10, $0x1;
	s10 =	sld [smem:$0x3FA8]  }
0x3d: {  	_ =	shalt  }
0x3e: {  	_ =	shalt  }
0x3f: {  	_ =	shalt  }
0x40: {  	_ =	shalt  }
0x41: {  	_ =	shalt  }
0x42: {  	_ =	shalt  }
0x43: {  	_ =	shalt  }
0x44: {  	_ =	shalt  }
0x45: {  	_ =	shalt  }
0x46: {  	_ =	shalt  }
0x47: {  	_ =	shalt  }
0x48: {  	_ =	shalt  }
0x49: {  	_ =	shalt  }
0x4a: {  	_ =	shalt  }
0x4b: {  	_ =	shalt  }
0x4c: {  	_ =	shalt  }
0x4d: {  	_ =	shalt  }
0x4e: {  	_ =	shalt  }
0x4f: {  	_ =	shalt  }
0x50: {  	_ =	shalt  }
0x51: {  	_ =	shalt  }
0x52: {  	_ =	shalt  }
0x53: {  	_ =	shalt  }
0x54: {  	_ =	shalt  }
0x55: {  	_ =	shalt  }
0x56: {  	_ =	shalt  }
0x57: {  	_ =	shalt  }
0x58: {  	_ =	shalt  }
0x59: {  	_ =	shalt  }
0x5a: {  	_ =	shalt  }
0x5b: {  	_ =	shalt  }
0x5c: {  	_ =	shalt  }
0x5d: {  	_ =	shalt  }
0x5e: {  	_ =	shalt  }
0x5f: {  	_ =	shalt  }
0x60: {  	_ =	shalt  }
0x61: {  	_ =	shalt  }
0x62: {  	_ =	shalt  }
0x63: {  	_ =	shalt  }
0x64: {  	_ =	shalt  }
0x65: {  	_ =	shalt  }
0x66: {  	_ =	shalt  }
0x67: {  	_ =	shalt  }
0x68: {  	_ =	shalt  }
0x69: {  	_ =	shalt  }
0x6a: {  	_ =	shalt  }
0x6b: {  	_ =	shalt  }
0x6c: {  	_ =	shalt  }
0x6d: {  	_ =	shalt  }
0x6e: {  	_ =	shalt  }
0x6f: {  	_ =	shalt  }
0x70: {  	_ =	shalt  }
0x71: {  	_ =	shalt  }
0x72: {  	_ =	shalt  }
0x73: {  	_ =	shalt  }
0x74: {  	_ =	shalt  }
0x75: {  	_ =	shalt  }
0x76: {  	_ =	shalt  }
0x77: {  	_ =	shalt  }
0x78: {  	_ =	shalt  }
0x79: {  	_ =	shalt  }
0x7a: {  	_ =	shalt  }
0x7b: {  	_ =	shalt  }
0x7c: {  	_ =	shalt  }
0x7d: {  	_ =	shalt  }
0x7e: {  	_ =	shalt  }
0x7f: {  	_ =	shalt  }
0x80: {  	_ =	shalt  }
0x81: {  	_ =	shalt  }
0x82: {  	_ =	shalt  }
0x83: {  	_ =	shalt  }
0x84: {  	_ =	shalt  }
0x85: {  	_ =	shalt  }
0x86: {  	_ =	shalt  }
0x87: {  	_ =	shalt  }
.Lfunc_end0:
.L_simem_size_0:
called_computation_lowered:
.L_overlay_start_0:
0x88: {  	s2 =	sld [smem:$0x3FD9]  }
0x89: {  	s3 =	sld [smem:$0x3FFE];
	_ =	sdelay $0x1  }
0x8a: {  	s1 =	srdreg.scid  }
0x8b: {  	s0 =	sand.u32 $0x1, s1  }
0x8c: {  	s17 =	sshll.u32 s0, $0xA;
	s2 =	sadd.s32 s3, s2  }
0x8d: {  	s2 =	sadd.s32 s2, s17  }
0x8e: {  	[smem:$0x3FB4] =	sst s2  }
0x8f: {  	_ = 	snop  }
0x90: {  	s2 =	sld [smem:$0x3FC7];
	(tm) =	ssettm $0x1  }
0x91: {  	s18 =	sld [smem:$0x3FFB];
	_ =	sdelay $0x3  }
0x92: {  	_ =	strace s18  }
0x93: {  	s3 =	sld [smem:$0x3FFC];
	_ =	sdelay $0x3  }
0x94: {  	_ =	strace s3  }
0x95: {  	s3 =	sld [smem:$0x3FFD];
	_ =	sdelay $0x3  }
0x96: {  	_ =	strace s3  }
0x97: {  	_ =	strace $0x8FFFFFFF  }
0x98: {  	s19 =	sld [smem:$0x3FDB];
	_ =	sdelay $0x1  }
0x99: {  	s4 =	simm.s32 $_scs_section_size  }
0x9a: {  	s5 =	simm.s32 $_size__tile_overlayer_lowered;
	s6 =	simm.s32 $_tile_overlayer_lowered  }
0x9b: {  	s22 =	simm.s32 $0x1BFF;
	s21 =	sshll.u32 s6, $0x1;
	s3 =	sadd.s32 s4, s19  }
0x9c: {  	s7 =	simm.s32 $0x0;
	s20 =	sshll.u32 s5, $0x1;
	s5 =	sadd.s32 s21, s3  }
0x9d: {  	[timem:s7], [sflag:s22] =	dma.local [hbm:s5], s20  }
0x9e: {  	_ =	swait.ge [sflag:s22], s20  }
0x9f: {  	s4 =	ssub.s32 $0x0, s20;
	[sflag:s22] =	ssyncset.done $0x0  }
0xa0: {  	[sflag:s22] =	ssyncadd.s32 s4;
	_ =	sdelay $0x1  }
0xa1: {  	s23 =	simm.s32 $0x1B8B  }
0xa2: {  	_ =	swait.ge [sflag:s23], $0x1  }
0xa3: {  	[sflag:s23] =	ssyncset.done $0x0  }
0xa4: {  	s25 =	simm.s32 $0x1B8E;
	s24 =	sld [smem:$0x3FFE];
	[sflag:s23] =	ssyncadd.s32 $0xFFFFFFFF  }
0xa5: {  	s26 =	simm.s32 $execute0_lowered;
	[smem:$0x3FD2] =	sst s25  }
0xa6: {  	s5 =	sshll.u32 s26, $0x1;
	_ =	strace $0x80000046;
	[dreg:$0x1] =	wrdreg $0xFFFFFFFF  }
0xa7: {  	s28 =	simm.s32 $_size_execute0_lowered;
	s3 =	sadd.s32 s3, s5;
	[dreg:$0x0] =	wrdreg $0x0  }
0xa8: {  	s5 =	sshll.u32 s28, $0x1;
	[dreg:$0x2] =	wrdreg s3  }
0xa9: {  	[dreg:$0x3] =	wrdreg s5  }
0xaa: {  	[dreg:$0x4] =	wrdreg $0xC0  }
0xab: {  	_ =	task [dreg:s7], $0x5FFFF  }
0xac: {  	[dreg:$0x1] =	wrdreg $0xFFFFFFFF  }
0xad: {  	[dreg:$0x0] =	wrdreg $0x60  }
0xae: {  	[dreg:$0x2] =	wrdreg s24  }
0xaf: {  	[dreg:$0x3] =	wrdreg s2  }
0xb0: {  	[dreg:$0x4] =	wrdreg $0x9  }
0xb1: {  	_ =	task.clear_ibuf [dreg:s7], $0x5FFFF;
	_ =	strace $0x90000046  }
0xb2: {  	s29 =	simm.s32 $0x9;
	_ =	strace $0x80000048  }
0xb3: {  	_ =	swait.ge [sflag:s29], $0x1  }
0xb4: {  	[sflag:s29] =	ssyncadd.s32 $0xFFFFFFFF  }
0xb5: {  	_ =	strace $0x90000048  }
0xb6: {  	_ =	sfence  }
0xb7: {  	s30 =	sld [smem:$0x0];
	_ =	sdelay $0x2  }
0xb8: {  	s31 =	sshll.u32 s1, $0xD;
	s1 =	sshrl.u32 s1, $0x2  }
0xb9: {  	s3 =	sand.u32 $0x4000, s31;
	s1 =	sadd.s32 s1, s30  }
0xba: {  	s0 =	sor.u32 s3, s0;
	s1 =	sshll.u32 s1, $0x11  }
0xbb: {  	s0 =	sor.u32 s1, s0  }
0xbc: {  	s0 =	sadd.s32 $0x8F2B, s0  }
0xbd: {  	[sflag:s0] =	ssyncadd.remote.s32 $0x1  }
0xbe: {  	_ =	sfence.sel $0xFFFF  }
0xbf: {  	[dreg:$0x0] =	wrdreg $0xFFFFFFFF;
	(pc) =	sbr.abs _section_cstart, $3  }
0xc0: {  	[dreg:$0x1] =	wrdreg $0xFFFFFFFF  }
0xc1: {  	_ =	task.clear_ibuf [dreg:s7], $0x2FFFF;
	_ =	strace $0x9FFFFFFF  }
0xc2: {  	(tm) =	ssettm $0x7FFFFFFF  }
0xc3: {  	_ =	shalt  }
tec
execute0_lowered:
.L_overlay_start_1:
0x0: {  	(tag) =	ssettag $0x1  }
0x1: {  	s1 =	srdreg.scid  }
0x2: {  	s0 =	stileid.u32;
	s8 =	rddreg [dreg:$0x0]  }
0x3: {  	s3 =	rddreg [dreg:$0x1];
	s6 =	sand.u32 $0x1, s1;
	s30 =	sshll.u32 s0, $0x1  }
0x4: {  	s2 =	simm.s32 $0x0;
	s1 =	rddreg [dreg:$0x2];
	s7 =	sor.u32 s6, s30  }
0x5: {  	[smem:$0x7FF] =	sst s2;
	s4 =	smul.u32 $0xA, s7  }
0x6: {  	s5 =	sadd.s32 $0x2800, s8;
	_ =	strace $0x80000047;
	s10 =	ssub.s32 $0x2, s6  }
0x7: {  	s6 =	simm.s32 $0x50;
	s4 =	sadd.s32 s3, s4;
	s3 =	simm.s32 $0x2  }
0x8: {  	[tilespmem:s2], [sflag:$0x2] =	stream.linear.gather [hbm4b:s4+s2], $0x50, $0x38;
	[tilespmem:$0x6450] =	vst v63  }
0x9: {  	s9 =	smul.u32 $0xC80, s7;
	s11 =	sshrl.u32 s10, $0x1;
	_ =	swait.ge [sflag:s3], $0x50  }
0xa: {  	s7 =	simm.s32 $0x1;
	s31 =	ssub.s32 s10, s11;
	[sflag:s3] =	ssyncset.done $0x0  }
0xb: {  	s8 =	sadd.s32 s9, s8;
	s9 =	smax.u32 s31, $0x1;
	[sflag:s3] =	ssyncadd.s32 $0xFFFFFFB0  }
0xc: {  	[tilespmem:s6], [sflag:$0x1] =	stream.indirect.gather [hbm4b:s5+s6], $0x140, s2, s6, $0xb8;
	[tilespmem:$0x6450] =	vst v63  }
0xd: {  	p0 =	sne.s32 s9, $0x1;
	_ =	swait.ge [sflag:s7], $0x6400  }
.Ltmp0:
0xe: {  	[sflag:s7] =	ssyncset.done $0x0;
	(pc) =	sbr.rel @!p0 .LBB2_2-.Ltmp0, $4  }
0xf: {  	s8 =	sadd.s32 $0xC5E00, s8;
	[sflag:s7] =	ssyncadd.s32 $0xFFFF9C00  }
0x10: {  	[hbm4b:s8+s2] =	stream.linear.scatter [tilespmem:s6], [sflag:$0x2], $0x6400, $0x38;
	[tilespmem:$0x6450] =	vst v63  }
0x11: {  	_ =	swait.ge [sflag:s3], $0x6400  }
0x12: {  	s9 =	sadd.s32 $0xFFFFFFFF, s9;
	[sflag:s3] =	ssyncset.done $0x0  }
.LBB2_1:
0x13: {  	p0 =	sne.s32 s9, $0x1;
	s9 =	sadd.s32 $0xFFFFFFFF, s9;
	[sflag:s3] =	ssyncadd.s32 $0xFFFF9C00  }
0x14: {  	[tilespmem:s2], [sflag:$0x2] =	stream.linear.gather [hbm4b:s4+s2], $0x50, $0x38;
	[tilespmem:$0x6450] =	vst v63  }
0x15: {  	_ =	swait.ge [sflag:s3], $0x50  }
0x16: {  	[sflag:s3] =	ssyncset.done $0x0  }
0x17: {  	[sflag:s3] =	ssyncadd.s32 $0xFFFFFFB0  }
0x18: {  	[tilespmem:s6], [sflag:$0x1] =	stream.indirect.gather [hbm4b:s5+s6], $0x140, s2, s6, $0xb8;
	[tilespmem:$0x6450] =	vst v63  }
0x19: {  	_ =	swait.ge [sflag:s7], $0x6400  }
.Ltmp1:
0x1a: {  	[sflag:s7] =	ssyncset.done $0x0;
	(pc) =	sbr.rel @p0 .LBB2_1-.Ltmp1, $4  }
0x1b: {  	[sflag:s7] =	ssyncadd.s32 $0xFFFF9C00  }
0x1c: {  	[hbm4b:s8+s2] =	stream.linear.scatter [tilespmem:s6], [sflag:$0x2], $0x6400, $0x38;
	[tilespmem:$0x6450] =	vst v63  }
0x1d: {  	_ =	swait.ge [sflag:s3], $0x6400  }
0x1e: {  	[sflag:s3] =	ssyncset.done $0x0  }
.LBB2_2:
0x1f: {  	[sflag:s3] =	ssyncadd.s32 $0xFFFF9C00  }
0x20: {  	_ =	sfence.sel $0x180000  }
0x21: {  	[bflag:$0x0] =	sbarrier.arrive $0xFFFF  }
0x22: {  	p0 =	sne.s32 s0, $0x0;
	_ =	strace $0x90000047  }
0x23: {  	s0 =	sadd.s32 @!p0 $0x100000, s1;
	[bflag:$0x2] =	sbarrier.arrive $0xFFFF  }
0x24: {  	[sflag:s0] =	ssyncadd.tile.s32 @!p0 $0x1;
	_ =	shalt  }
.Lfunc_end2:
_tile_overlayer_lowered:
.L_overlay_start_2:
0x25: {  	(tag) =	ssettag $0x2  }
0x26: {  	s0 =	rddreg [dreg:$0x0];
	s2 =	stileid.u32  }
0x27: {  	s1 =	rddreg [dreg:$0x1];
	p0 =	sne.s32 s2, $0x0  }
0x28: {  	s3 =	rddreg [dreg:$0x2];
	[bflag:$0x3] =	sbarrier.arrive $0xFFFF;
	s2 =	simm.s32 @!p0 $0x1C02  }
0x29: {  	[timem:s3], [sflag:s2] =	dma.local @!p0 [hbm:s0], s1  }
0x2a: {  	s0 =	simm.s32 @!p0 $0x2  }
0x2b: {  	_ =	swait.ge @!p0 [sflag:s0], s1  }
0x2c: {  	s1 =	ssub.s32 @!p0 $0x0, s1;
	[sflag:s0] =	ssyncset.done @!p0 $0x0  }
0x2d: {  	[sflag:s0] =	ssyncadd.s32 @!p0 s1  }
0x2e: {  	[bflag:$0x3] =	sbarrier.arrive $0xFFFF  }
0x2f: {  	_ =	shalt  }

</sc_bundles>
